<compile_context>
chip_gen: v7x
topology: tpu7x:2x2x1
jax: 0.10.2.dev20260603
libtpu: 0.0.44.dev20260713+nightly
codegen_flags: <defaults>
</compile_context>

<pallas_src>
import functools

import jax
import jax.numpy as jnp
from jax import lax
from jax.experimental import pallas as pl
from jax.experimental.pallas import tpu as pltpu
from jax.experimental.pallas import tpu_sc as plsc

N = 20000
G = 8
D = 2048
NUM_CLASSES = 30
C_MM = NUM_CLASSES + 1 + NUM_CLASSES * 4
C_TAIL = NUM_CLASSES + 1 + 4
C_OUT = C_MM + C_TAIL

NW = 32
ROWS_W = 640
NPAD = NW * ROWS_W
NGROUPS = ROWS_W // 16

BN = 1000

_LN2 = 0.6931471805599453
_SQRT2 = 1.4142135623730951


def _ln(x):
    bits = lax.bitcast_convert_type(x, jnp.int32)
    e = ((bits >> 23) & 0xFF) - 127
    m = lax.bitcast_convert_type((bits & 0x007FFFFF) | 0x3F800000,
                                 jnp.float32)
    big = m > _SQRT2
    m = jnp.where(big, m * 0.5, m)
    e = e + jnp.where(big, 1, 0)
    r = (m - 1.0) / (m + 1.0)
    r2 = r * r
    s = r * (2.0 + r2 * (2.0 / 3.0 + r2 * (2.0 / 5.0)))
    return e.astype(jnp.float32) * _LN2 + s


def _splat_i32(v, n=16):
    return jnp.full((n,), v, jnp.int32)


def _sc_body(prop_hbm, gt_hbm, lab_hbm, out_hbm, pv, gv, lv, ov):
    wid = lax.axis_index("s") * 2 + lax.axis_index("c")
    base = jnp.where(wid == NW - 1, N - ROWS_W, wid * ROWS_W)
    pltpu.sync_copy(prop_hbm.at[pl.ds(base * 4, ROWS_W * 4)], pv)
    pltpu.sync_copy(gt_hbm, gv)
    pltpu.sync_copy(lab_hbm, lv)

    gx1 = [plsc.load_gather(gv, [_splat_i32(8 + 4 * g + 0)]) for g in range(G)]
    gy1 = [plsc.load_gather(gv, [_splat_i32(8 + 4 * g + 1)]) for g in range(G)]
    gx2 = [plsc.load_gather(gv, [_splat_i32(8 + 4 * g + 2)]) for g in range(G)]
    gy2 = [plsc.load_gather(gv, [_splat_i32(8 + 4 * g + 3)]) for g in range(G)]
    lab = [plsc.load_gather(lv, [_splat_i32(8 + g)]) for g in range(G)]
    area_g = [(gx2[g] - gx1[g] + 1.0) * (gy2[g] - gy1[g] + 1.0)
              for g in range(G)]

    lane = lax.iota(jnp.int32, 16)
    zero16 = jnp.zeros((16,), jnp.float32)

    def group(j, _):
        r = j * 16
        rows = r + lane
        p4 = rows * 4
        px1 = plsc.load_gather(pv, [p4 + 0])
        py1 = plsc.load_gather(pv, [p4 + 1])
        px2 = plsc.load_gather(pv, [p4 + 2])
        py2 = plsc.load_gather(pv, [p4 + 3])
        area_b = (px2 - px1 + 1.0) * (py2 - py1 + 1.0)

        for k in range(C_TAIL):
            ov[pl.ds(r * C_TAIL + 16 * k, 16)] = zero16

        row35 = rows * C_TAIL
        best = jnp.full((16,), -1.0, jnp.float32)
        bx1 = zero16
        by1 = zero16
        bx2 = zero16
        by2 = zero16
        for g in range(G):
            iw = jnp.maximum(
                jnp.minimum(px2, gx2[g]) - jnp.maximum(px1, gx1[g]) + 1.0,
                0.0)
            ih = jnp.maximum(
                jnp.minimum(py2, gy2[g]) - jnp.maximum(py1, gy1[g]) + 1.0,
                0.0)
            inter = iw * ih
            union = area_b + area_g[g] - inter
            iou = inter / jnp.maximum(union, 1e-6)

            idx = row35 + lab[g]
            cur = plsc.load_gather(ov, [idx])
            plsc.store_scatter(ov, [idx], jnp.maximum(cur, iou))

            upd = iou > best
            best = jnp.where(upd, iou, best)
            bx1 = jnp.where(upd, gx1[g], bx1)
            by1 = jnp.where(upd, gy1[g], by1)
            bx2 = jnp.where(upd, gx2[g], bx2)
            by2 = jnp.where(upd, gy2[g], by2)

        src_w = jnp.maximum(px2 - px1, 1e-3)
        src_h = jnp.maximum(py2 - py1, 1e-3)
        gt_w = jnp.maximum(bx2 - bx1, 1e-3)
        gt_h = jnp.maximum(by2 - by1, 1e-3)
        tx = (bx1 + 0.5 * gt_w - px1 - 0.5 * src_w) / src_w
        ty = (by1 + 0.5 * gt_h - py1 - 0.5 * src_h) / src_h

        plsc.store_scatter(ov, [row35 + NUM_CLASSES], best)
        plsc.store_scatter(ov, [row35 + (NUM_CLASSES + 1)], tx)
        plsc.store_scatter(ov, [row35 + (NUM_CLASSES + 2)], ty)
        plsc.store_scatter(ov, [row35 + (NUM_CLASSES + 3)], _ln(gt_w / src_w))
        plsc.store_scatter(ov, [row35 + (NUM_CLASSES + 4)], _ln(gt_h / src_h))
        return 0

    lax.fori_loop(0, NGROUPS, group, 0)
    pltpu.sync_copy(ov, out_hbm.at[pl.ds(base * C_TAIL, ROWS_W * C_TAIL)])


_sc_tail = functools.partial(
    pl.kernel,
    out_type=jax.ShapeDtypeStruct((N * C_TAIL,), jnp.float32),
    mesh=plsc.VectorSubcoreMesh(core_axis_name="c", subcore_axis_name="s"),
    scratch_types=[
        pltpu.VMEM((ROWS_W * 4,), jnp.float32),
        pltpu.VMEM((8 + 4 * G,), jnp.float32),
        pltpu.VMEM((16,), jnp.int32),
        pltpu.VMEM((ROWS_W * C_TAIL,), jnp.float32),
    ],
    compiler_params=pltpu.CompilerParams(needs_layout_passes=False),
)(_sc_body)


def _mm_body(x_ref, w_ref, t_ref, out_ref):
    mm = jnp.dot(x_ref[...], w_ref[...],
                 preferred_element_type=jnp.float32)
    out_ref[...] = jnp.concatenate([mm, t_ref[...]], axis=1)


def _fuse(x, w, tail):
    return pl.pallas_call(
        _mm_body,
        grid=(N // BN,),
        in_specs=[
            pl.BlockSpec((BN, D), lambda i: (i, 0)),
            pl.BlockSpec((D, C_MM), lambda i: (0, 0)),
            pl.BlockSpec((BN, C_TAIL), lambda i: (i, 0)),
        ],
        out_specs=pl.BlockSpec((BN, C_OUT), lambda i: (i, 0)),
        out_shape=jax.ShapeDtypeStruct((N, C_OUT), jnp.float32),
        compiler_params=pltpu.CompilerParams(
            dimension_semantics=("parallel",),
        ),
    )(x, w, tail)


def kernel(x, proposals, gt_bbox, W_cls, W_bbox, gt_labels):
    w = jnp.concatenate([W_cls, W_bbox], axis=1)
    prop_flat = proposals.reshape(N * 4)
    gt_flat = jnp.concatenate(
        [jnp.zeros((8,), jnp.float32), gt_bbox.reshape(4 * G)])
    lab16 = jnp.pad(gt_labels.astype(jnp.int32), (8, 16 - G - 8))

    tail = _sc_tail(prop_flat, gt_flat, lab16).reshape(N, C_TAIL)
    return _fuse(x, w, tail)

# --- scband reference (transcript-rebuilt; emitter-appended) ---
"""Pipeline reference for scband-roibox-head-76433237999754 (READ-ONLY COPY).

The authoritative reference and input builder live on the scoring server;
editing this copy changes nothing except your own understanding.
"""

import jax, jax.numpy as jnp
import numpy as np

N = 20000
G = 8
D = 2048
NUM_CLASSES = 30


def _make_boxes(key, n, max_xy=500.0, max_wh=100.0):
    k1, k2 = jax.random.split(key)
    xy = jax.random.uniform(k1, (n, 2), dtype=jnp.float32) * max_xy
    wh = jax.random.uniform(k2, (n, 2), dtype=jnp.float32) * max_wh + 1.0
    return jnp.concatenate([xy, xy + wh], axis=1)


def setup_inputs(seed: int = 0) -> dict:
    key = jax.random.key(seed)
    ks = jax.random.split(key, 6)
    x = jax.random.normal(ks[0], (N, D), dtype=jnp.float32)
    proposals = _make_boxes(ks[1], N)
    gt_bbox = _make_boxes(ks[2], G)
    gt_labels = jax.random.randint(ks[3], (G,), 0, NUM_CLASSES)
    W_cls = jax.random.normal(ks[4], (D, NUM_CLASSES + 1), dtype=jnp.float32) * 0.02
    W_bbox = jax.random.normal(ks[5], (D, NUM_CLASSES * 4), dtype=jnp.float32) * 0.02
    return {"x": x, "proposals": proposals, "gt_bbox": gt_bbox,
            "W_cls": W_cls, "W_bbox": W_bbox, "gt_labels": gt_labels}


def _iou(boxes, gt):
    # boxes [N,4], gt [G,4] -> IoU [N,G] (matches compute_overlap_torch semantics)
    x1 = jnp.maximum(boxes[:, None, 0], gt[None, :, 0])
    y1 = jnp.maximum(boxes[:, None, 1], gt[None, :, 1])
    x2 = jnp.minimum(boxes[:, None, 2], gt[None, :, 2])
    y2 = jnp.minimum(boxes[:, None, 3], gt[None, :, 3])
    iw = jnp.maximum(x2 - x1 + 1.0, 0.0)
    ih = jnp.maximum(y2 - y1 + 1.0, 0.0)
    inter = iw * ih
    area_b = (boxes[:, 2] - boxes[:, 0] + 1.0) * (boxes[:, 3] - boxes[:, 1] + 1.0)
    area_g = (gt[:, 2] - gt[:, 0] + 1.0) * (gt[:, 3] - gt[:, 1] + 1.0)
    union = area_b[:, None] + area_g[None, :] - inter
    return inter / jnp.maximum(union, 1e-6)


def _bbox_targets(ex_boxes, gt_boxes):
    # faithful translation of the regression-target math in forward_train
    src_w = jnp.maximum(ex_boxes[:, 2] - ex_boxes[:, 0], 1e-3)
    src_h = jnp.maximum(ex_boxes[:, 3] - ex_boxes[:, 1], 1e-3)
    src_ctr_x = ex_boxes[:, 0] + 0.5 * src_w
    src_ctr_y = ex_boxes[:, 1] + 0.5 * src_h
    gt_w = jnp.maximum(gt_boxes[:, 2] - gt_boxes[:, 0], 1e-3)
    gt_h = jnp.maximum(gt_boxes[:, 3] - gt_boxes[:, 1], 1e-3)
    gt_ctr_x = gt_boxes[:, 0] + 0.5 * gt_w
    gt_ctr_y = gt_boxes[:, 1] + 0.5 * gt_h
    dst_ctr_x = (gt_ctr_x - src_ctr_x) / src_w
    dst_ctr_y = (gt_ctr_y - src_ctr_y) / src_h
    dst_scl_w = jnp.log(gt_w / src_w)
    dst_scl_h = jnp.log(gt_h / src_h)
    return jnp.stack((dst_ctr_x, dst_ctr_y, dst_scl_w, dst_scl_h), axis=1)


def reference(x, proposals, gt_bbox, W_cls, W_bbox, gt_labels):
    # predictor head (ROI box predictor): class scores + per-class bbox deltas
    cls_logits = x @ W_cls                      # [N, NUM_CLASSES+1]
    bbox_pred = x @ W_bbox                      # [N, NUM_CLASSES*4]
    # overlap matrix between all proposals and all GT boxes
    iou = _iou(proposals, gt_bbox)              # [N, G]
    # per-class running-max overlap (the gt_labels_list loop), via segment_max
    cls_overlap = jax.ops.segment_max(iou.T, gt_labels, num_segments=NUM_CLASSES).T
    cls_overlap = jnp.maximum(cls_overlap, 0.0)  # empty classes -> 0
    # match each proposal to its best GT and compute regression targets
    best = jnp.argmax(iou, axis=1)
    matched = jnp.take(gt_bbox, best, axis=0)
    targets = _bbox_targets(proposals, matched)  # [N, 4]
    max_ov = jnp.max(iou, axis=1)
    return jnp.concatenate([cls_logits, bbox_pred, cls_overlap,
                            max_ov[:, None], targets], axis=1)

if __name__ == "__main__":
    import jax
    _d = setup_inputs()
    print(jax.jit(kernel)(*tuple(_d.values())))

</pallas_src>

<mosaic_0001>
#map = affine_map<(d0, d1) -> (0)>
module attributes {stable_mosaic.version = 14 : i64} {
  func.func @_sc_body(%arg0: i32, %arg1: i32, %arg2: memref<80000xf32, #tpu.memory_space<hbm>>, %arg3: memref<40xf32, #tpu.memory_space<hbm>>, %arg4: memref<16xi32, #tpu.memory_space<hbm>>, %arg5: memref<700000xf32, #tpu.memory_space<hbm>>, %arg6: memref<2560xf32, #tpu.memory_space<vmem>>, %arg7: memref<40xf32, #tpu.memory_space<vmem>>, %arg8: memref<16xi32, #tpu.memory_space<vmem>>, %arg9: memref<22400xf32, #tpu.memory_space<vmem>>) attributes {dimension_semantics = [#tpu.dimension_semantics<core_parallel>, #tpu.dimension_semantics<subcore_parallel>], iteration_bounds = array<i64: 2, 16>, scalar_prefetch = 0 : i64, scratch_operands = 4 : i64, tpu.core_type = #tpu.core_type<sc_vector_subcore>, window_params = [{transform_indices = #map}, {transform_indices = #map}, {transform_indices = #map}, {transform_indices = #map}]} {
    %mul3A = arith.constant 2 : i32
    %mul3A_0 = arith.muli %arg1, %mul3A : i32
    %add3A = arith.addi %mul3A_0, %arg0 : i32
    %eq3A = arith.constant 31 : i32
    %eq3A_1 = arith.cmpi eq, %add3A, %eq3A : i32
    %mul3A_2 = arith.constant 640 : i32
    %mul3A_3 = arith.muli %add3A, %mul3A_2 : i32
    %jit3A = arith.constant 19360 : i32
    %select_n3A = arith.select %eq3A_1, %jit3A, %mul3A_3 : i32
    %mul3A_4 = arith.constant 4 : i32
    %mul3A_5 = arith.muli %select_n3A, %mul3A_4 : i32
    "tpu.region"() ({
      %run_scoped3A = tpu.sem_alloc : memref<!tpu.dma_semaphore, #tpu.memory_space<semaphore_mem>>
      %dma_start3A = tpu.memref_slice %arg2[%mul3A_5] : memref<80000xf32, #tpu.memory_space<hbm>> -> memref<2560xf32, #tpu.memory_space<hbm>>
      %dma_start3A_205 = tpu.memref_slice %arg2[%mul3A_5] : memref<80000xf32, #tpu.memory_space<hbm>> -> memref<2560xf32, #tpu.memory_space<hbm>>
      tpu.enqueue_dma source(%dma_start3A_205 : memref<2560xf32, #tpu.memory_space<hbm>>) target(%arg6 : memref<2560xf32, #tpu.memory_space<vmem>>) target_semaphore(%run_scoped3A : memref<!tpu.dma_semaphore, #tpu.memory_space<semaphore_mem>>)
      %dma_wait3A = tpu.memref_slice %arg2[%mul3A_5] : memref<80000xf32, #tpu.memory_space<hbm>> -> memref<2560xf32, #tpu.memory_space<hbm>>
      %dma_wait3A_206 = tpu.memref_slice %arg2[%mul3A_5] : memref<80000xf32, #tpu.memory_space<hbm>> -> memref<2560xf32, #tpu.memory_space<hbm>>
      tpu.wait_dma2 semaphore(%run_scoped3A : memref<!tpu.dma_semaphore, #tpu.memory_space<semaphore_mem>>) src(%dma_wait3A_206 : memref<2560xf32, #tpu.memory_space<hbm>>) dst(%arg6 : memref<2560xf32, #tpu.memory_space<vmem>>)
      tpu.yield
    }) : () -> ()
    "tpu.region"() ({
      %run_scoped3A = tpu.sem_alloc : memref<!tpu.dma_semaphore, #tpu.memory_space<semaphore_mem>>
      tpu.enqueue_dma source(%arg3 : memref<40xf32, #tpu.memory_space<hbm>>) target(%arg7 : memref<40xf32, #tpu.memory_space<vmem>>) target_semaphore(%run_scoped3A : memref<!tpu.dma_semaphore, #tpu.memory_space<semaphore_mem>>)
      tpu.wait_dma2 semaphore(%run_scoped3A : memref<!tpu.dma_semaphore, #tpu.memory_space<semaphore_mem>>) src(%arg3 : memref<40xf32, #tpu.memory_space<hbm>>) dst(%arg7 : memref<40xf32, #tpu.memory_space<vmem>>)
      tpu.yield
    }) : () -> ()
    "tpu.region"() ({
      %run_scoped3A = tpu.sem_alloc : memref<!tpu.dma_semaphore, #tpu.memory_space<semaphore_mem>>
      tpu.enqueue_dma source(%arg4 : memref<16xi32, #tpu.memory_space<hbm>>) target(%arg8 : memref<16xi32, #tpu.memory_space<vmem>>) target_semaphore(%run_scoped3A : memref<!tpu.dma_semaphore, #tpu.memory_space<semaphore_mem>>)
      tpu.wait_dma2 semaphore(%run_scoped3A : memref<!tpu.dma_semaphore, #tpu.memory_space<semaphore_mem>>) src(%arg4 : memref<16xi32, #tpu.memory_space<hbm>>) dst(%arg8 : memref<16xi32, #tpu.memory_space<vmem>>)
      tpu.yield
    }) : () -> ()
    %broadcast_in_dim3A = arith.constant 8 : i32
    %broadcast_in_dim3A_6 = vector.broadcast %broadcast_in_dim3A : i32 to vector<16xi32>
    %gather3A = tpu.vector_load_idx %arg7[%broadcast_in_dim3A_6] : memref<40xf32, #tpu.memory_space<vmem>>[vector<16xi32>], vector<16xf32>,
    %broadcast_in_dim3A_7 = arith.constant 12 : i32
    %broadcast_in_dim3A_8 = vector.broadcast %broadcast_in_dim3A_7 : i32 to vector<16xi32>
    %gather3A_9 = tpu.vector_load_idx %arg7[%broadcast_in_dim3A_8] : memref<40xf32, #tpu.memory_space<vmem>>[vector<16xi32>], vector<16xf32>,
    %broadcast_in_dim3A_10 = arith.constant 16 : i32
    %broadcast_in_dim3A_11 = vector.broadcast %broadcast_in_dim3A_10 : i32 to vector<16xi32>
    %gather3A_12 = tpu.vector_load_idx %arg7[%broadcast_in_dim3A_11] : memref<40xf32, #tpu.memory_space<vmem>>[vector<16xi32>], vector<16xf32>,
    %broadcast_in_dim3A_13 = arith.constant 20 : i32
    %broadcast_in_dim3A_14 = vector.broadcast %broadcast_in_dim3A_13 : i32 to vector<16xi32>
    %gather3A_15 = tpu.vector_load_idx %arg7[%broadcast_in_dim3A_14] : memref<40xf32, #tpu.memory_space<vmem>>[vector<16xi32>], vector<16xf32>,
    %broadcast_in_dim3A_16 = arith.constant 24 : i32
    %broadcast_in_dim3A_17 = vector.broadcast %broadcast_in_dim3A_16 : i32 to vector<16xi32>
    %gather3A_18 = tpu.vector_load_idx %arg7[%broadcast_in_dim3A_17] : memref<40xf32, #tpu.memory_space<vmem>>[vector<16xi32>], vector<16xf32>,
    %broadcast_in_dim3A_19 = arith.constant 28 : i32
    %broadcast_in_dim3A_20 = vector.broadcast %broadcast_in_dim3A_19 : i32 to vector<16xi32>
    %gather3A_21 = tpu.vector_load_idx %arg7[%broadcast_in_dim3A_20] : memref<40xf32, #tpu.memory_space<vmem>>[vector<16xi32>], vector<16xf32>,
    %broadcast_in_dim3A_22 = arith.constant 32 : i32
    %broadcast_in_dim3A_23 = vector.broadcast %broadcast_in_dim3A_22 : i32 to vector<16xi32>
    %gather3A_24 = tpu.vector_load_idx %arg7[%broadcast_in_dim3A_23] : memref<40xf32, #tpu.memory_space<vmem>>[vector<16xi32>], vector<16xf32>,
    %broadcast_in_dim3A_25 = arith.constant 36 : i32
    %broadcast_in_dim3A_26 = vector.broadcast %broadcast_in_dim3A_25 : i32 to vector<16xi32>
    %gather3A_27 = tpu.vector_load_idx %arg7[%broadcast_in_dim3A_26] : memref<40xf32, #tpu.memory_space<vmem>>[vector<16xi32>], vector<16xf32>,
    %broadcast_in_dim3A_28 = arith.constant 9 : i32
    %broadcast_in_dim3A_29 = vector.broadcast %broadcast_in_dim3A_28 : i32 to vector<16xi32>
    %gather3A_30 = tpu.vector_load_idx %arg7[%broadcast_in_dim3A_29] : memref<40xf32, #tpu.memory_space<vmem>>[vector<16xi32>], vector<16xf32>,
    %broadcast_in_dim3A_31 = arith.constant 13 : i32
    %broadcast_in_dim3A_32 = vector.broadcast %broadcast_in_dim3A_31 : i32 to vector<16xi32>
    %gather3A_33 = tpu.vector_load_idx %arg7[%broadcast_in_dim3A_32] : memref<40xf32, #tpu.memory_space<vmem>>[vector<16xi32>], vector<16xf32>,
    %broadcast_in_dim3A_34 = arith.constant 17 : i32
    %broadcast_in_dim3A_35 = vector.broadcast %broadcast_in_dim3A_34 : i32 to vector<16xi32>
    %gather3A_36 = tpu.vector_load_idx %arg7[%broadcast_in_dim3A_35] : memref<40xf32, #tpu.memory_space<vmem>>[vector<16xi32>], vector<16xf32>,
    %broadcast_in_dim3A_37 = arith.constant 21 : i32
    %broadcast_in_dim3A_38 = vector.broadcast %broadcast_in_dim3A_37 : i32 to vector<16xi32>
    %gather3A_39 = tpu.vector_load_idx %arg7[%broadcast_in_dim3A_38] : memref<40xf32, #tpu.memory_space<vmem>>[vector<16xi32>], vector<16xf32>,
    %broadcast_in_dim3A_40 = arith.constant 25 : i32
    %broadcast_in_dim3A_41 = vector.broadcast %broadcast_in_dim3A_40 : i32 to vector<16xi32>
    %gather3A_42 = tpu.vector_load_idx %arg7[%broadcast_in_dim3A_41] : memref<40xf32, #tpu.memory_space<vmem>>[vector<16xi32>], vector<16xf32>,
    %broadcast_in_dim3A_43 = arith.constant 29 : i32
    %broadcast_in_dim3A_44 = vector.broadcast %broadcast_in_dim3A_43 : i32 to vector<16xi32>
    %gather3A_45 = tpu.vector_load_idx %arg7[%broadcast_in_dim3A_44] : memref<40xf32, #tpu.memory_space<vmem>>[vector<16xi32>], vector<16xf32>,
    %broadcast_in_dim3A_46 = arith.constant 33 : i32
    %broadcast_in_dim3A_47 = vector.broadcast %broadcast_in_dim3A_46 : i32 to vector<16xi32>
    %gather3A_48 = tpu.vector_load_idx %arg7[%broadcast_in_dim3A_47] : memref<40xf32, #tpu.memory_space<vmem>>[vector<16xi32>], vector<16xf32>,
    %broadcast_in_dim3A_49 = arith.constant 37 : i32
    %broadcast_in_dim3A_50 = vector.broadcast %broadcast_in_dim3A_49 : i32 to vector<16xi32>
    %gather3A_51 = tpu.vector_load_idx %arg7[%broadcast_in_dim3A_50] : memref<40xf32, #tpu.memory_space<vmem>>[vector<16xi32>], vector<16xf32>,
    %broadcast_in_dim3A_52 = arith.constant 10 : i32
    %broadcast_in_dim3A_53 = vector.broadcast %broadcast_in_dim3A_52 : i32 to vector<16xi32>
    %gather3A_54 = tpu.vector_load_idx %arg7[%broadcast_in_dim3A_53] : memref<40xf32, #tpu.memory_space<vmem>>[vector<16xi32>], vector<16xf32>,
    %broadcast_in_dim3A_55 = arith.constant 14 : i32
    %broadcast_in_dim3A_56 = vector.broadcast %broadcast_in_dim3A_55 : i32 to vector<16xi32>
    %gather3A_57 = tpu.vector_load_idx %arg7[%broadcast_in_dim3A_56] : memref<40xf32, #tpu.memory_space<vmem>>[vector<16xi32>], vector<16xf32>,
    %broadcast_in_dim3A_58 = arith.constant 18 : i32
    %broadcast_in_dim3A_59 = vector.broadcast %broadcast_in_dim3A_58 : i32 to vector<16xi32>
    %gather3A_60 = tpu.vector_load_idx %arg7[%broadcast_in_dim3A_59] : memref<40xf32, #tpu.memory_space<vmem>>[vector<16xi32>], vector<16xf32>,
    %broadcast_in_dim3A_61 = arith.constant 22 : i32
    %broadcast_in_dim3A_62 = vector.broadcast %broadcast_in_dim3A_61 : i32 to vector<16xi32>
    %gather3A_63 = tpu.vector_load_idx %arg7[%broadcast_in_dim3A_62] : memref<40xf32, #tpu.memory_space<vmem>>[vector<16xi32>], vector<16xf32>,
    %broadcast_in_dim3A_64 = arith.constant 26 : i32
    %broadcast_in_dim3A_65 = vector.broadcast %broadcast_in_dim3A_64 : i32 to vector<16xi32>
    %gather3A_66 = tpu.vector_load_idx %arg7[%broadcast_in_dim3A_65] : memref<40xf32, #tpu.memory_space<vmem>>[vector<16xi32>], vector<16xf32>,
    %broadcast_in_dim3A_67 = arith.constant 30 : i32
    %broadcast_in_dim3A_68 = vector.broadcast %broadcast_in_dim3A_67 : i32 to vector<16xi32>
    %gather3A_69 = tpu.vector_load_idx %arg7[%broadcast_in_dim3A_68] : memref<40xf32, #tpu.memory_space<vmem>>[vector<16xi32>], vector<16xf32>,
    %broadcast_in_dim3A_70 = arith.constant 34 : i32
    %broadcast_in_dim3A_71 = vector.broadcast %broadcast_in_dim3A_70 : i32 to vector<16xi32>
    %gather3A_72 = tpu.vector_load_idx %arg7[%broadcast_in_dim3A_71] : memref<40xf32, #tpu.memory_space<vmem>>[vector<16xi32>], vector<16xf32>,
    %broadcast_in_dim3A_73 = arith.constant 38 : i32
    %broadcast_in_dim3A_74 = vector.broadcast %broadcast_in_dim3A_73 : i32 to vector<16xi32>
    %gather3A_75 = tpu.vector_load_idx %arg7[%broadcast_in_dim3A_74] : memref<40xf32, #tpu.memory_space<vmem>>[vector<16xi32>], vector<16xf32>,
    %broadcast_in_dim3A_76 = arith.constant 11 : i32
    %broadcast_in_dim3A_77 = vector.broadcast %broadcast_in_dim3A_76 : i32 to vector<16xi32>
    %gather3A_78 = tpu.vector_load_idx %arg7[%broadcast_in_dim3A_77] : memref<40xf32, #tpu.memory_space<vmem>>[vector<16xi32>], vector<16xf32>,
    %broadcast_in_dim3A_79 = arith.constant 15 : i32
    %broadcast_in_dim3A_80 = vector.broadcast %broadcast_in_dim3A_79 : i32 to vector<16xi32>
    %gather3A_81 = tpu.vector_load_idx %arg7[%broadcast_in_dim3A_80] : memref<40xf32, #tpu.memory_space<vmem>>[vector<16xi32>], vector<16xf32>,
    %broadcast_in_dim3A_82 = arith.constant 19 : i32
    %broadcast_in_dim3A_83 = vector.broadcast %broadcast_in_dim3A_82 : i32 to vector<16xi32>
    %gather3A_84 = tpu.vector_load_idx %arg7[%broadcast_in_dim3A_83] : memref<40xf32, #tpu.memory_space<vmem>>[vector<16xi32>], vector<16xf32>,
    %broadcast_in_dim3A_85 = arith.constant 23 : i32
    %broadcast_in_dim3A_86 = vector.broadcast %broadcast_in_dim3A_85 : i32 to vector<16xi32>
    %gather3A_87 = tpu.vector_load_idx %arg7[%broadcast_in_dim3A_86] : memref<40xf32, #tpu.memory_space<vmem>>[vector<16xi32>], vector<16xf32>,
    %broadcast_in_dim3A_88 = arith.constant 27 : i32
    %broadcast_in_dim3A_89 = vector.broadcast %broadcast_in_dim3A_88 : i32 to vector<16xi32>
    %gather3A_90 = tpu.vector_load_idx %arg7[%broadcast_in_dim3A_89] : memref<40xf32, #tpu.memory_space<vmem>>[vector<16xi32>], vector<16xf32>,
    %broadcast_in_dim3A_91 = arith.constant 31 : i32
    %broadcast_in_dim3A_92 = vector.broadcast %broadcast_in_dim3A_91 : i32 to vector<16xi32>
    %gather3A_93 = tpu.vector_load_idx %arg7[%broadcast_in_dim3A_92] : memref<40xf32, #tpu.memory_space<vmem>>[vector<16xi32>], vector<16xf32>,
    %broadcast_in_dim3A_94 = arith.constant 35 : i32
    %broadcast_in_dim3A_95 = vector.broadcast %broadcast_in_dim3A_94 : i32 to vector<16xi32>
    %gather3A_96 = tpu.vector_load_idx %arg7[%broadcast_in_dim3A_95] : memref<40xf32, #tpu.memory_space<vmem>>[vector<16xi32>], vector<16xf32>,
    %broadcast_in_dim3A_97 = arith.constant 39 : i32
    %broadcast_in_dim3A_98 = vector.broadcast %broadcast_in_dim3A_97 : i32 to vector<16xi32>
    %gather3A_99 = tpu.vector_load_idx %arg7[%broadcast_in_dim3A_98] : memref<40xf32, #tpu.memory_space<vmem>>[vector<16xi32>], vector<16xf32>,
    %broadcast_in_dim3A_100 = arith.constant 8 : i32
    %broadcast_in_dim3A_101 = vector.broadcast %broadcast_in_dim3A_100 : i32 to vector<16xi32>
    %gather3A_102 = tpu.vector_load_idx %arg8[%broadcast_in_dim3A_101] : memref<16xi32, #tpu.memory_space<vmem>>[vector<16xi32>], vector<16xi32>,
    %broadcast_in_dim3A_103 = arith.constant 9 : i32
    %broadcast_in_dim3A_104 = vector.broadcast %broadcast_in_dim3A_103 : i32 to vector<16xi32>
    %gather3A_105 = tpu.vector_load_idx %arg8[%broadcast_in_dim3A_104] : memref<16xi32, #tpu.memory_space<vmem>>[vector<16xi32>], vector<16xi32>,
    %broadcast_in_dim3A_106 = arith.constant 10 : i32
    %broadcast_in_dim3A_107 = vector.broadcast %broadcast_in_dim3A_106 : i32 to vector<16xi32>
    %gather3A_108 = tpu.vector_load_idx %arg8[%broadcast_in_dim3A_107] : memref<16xi32, #tpu.memory_space<vmem>>[vector<16xi32>], vector<16xi32>,
    %broadcast_in_dim3A_109 = arith.constant 11 : i32
    %broadcast_in_dim3A_110 = vector.broadcast %broadcast_in_dim3A_109 : i32 to vector<16xi32>
    %gather3A_111 = tpu.vector_load_idx %arg8[%broadcast_in_dim3A_110] : memref<16xi32, #tpu.memory_space<vmem>>[vector<16xi32>], vector<16xi32>,
    %broadcast_in_dim3A_112 = arith.constant 12 : i32
    %broadcast_in_dim3A_113 = vector.broadcast %broadcast_in_dim3A_112 : i32 to vector<16xi32>
    %gather3A_114 = tpu.vector_load_idx %arg8[%broadcast_in_dim3A_113] : memref<16xi32, #tpu.memory_space<vmem>>[vector<16xi32>], vector<16xi32>,
    %broadcast_in_dim3A_115 = arith.constant 13 : i32
    %broadcast_in_dim3A_116 = vector.broadcast %broadcast_in_dim3A_115 : i32 to vector<16xi32>
    %gather3A_117 = tpu.vector_load_idx %arg8[%broadcast_in_dim3A_116] : memref<16xi32, #tpu.memory_space<vmem>>[vector<16xi32>], vector<16xi32>,
    %broadcast_in_dim3A_118 = arith.constant 14 : i32
    %broadcast_in_dim3A_119 = vector.broadcast %broadcast_in_dim3A_118 : i32 to vector<16xi32>
    %gather3A_120 = tpu.vector_load_idx %arg8[%broadcast_in_dim3A_119] : memref<16xi32, #tpu.memory_space<vmem>>[vector<16xi32>], vector<16xi32>,
    %broadcast_in_dim3A_121 = arith.constant 15 : i32
    %broadcast_in_dim3A_122 = vector.broadcast %broadcast_in_dim3A_121 : i32 to vector<16xi32>
    %gather3A_123 = tpu.vector_load_idx %arg8[%broadcast_in_dim3A_122] : memref<16xi32, #tpu.memory_space<vmem>>[vector<16xi32>], vector<16xi32>,
    %sub3A = arith.subf %gather3A_54, %gather3A : vector<16xf32>
    %add3A_124 = arith.constant 1.000000e+00 : f32
    %add3A_125 = vector.broadcast %add3A_124 : f32 to vector<16xf32>
    %add3A_126 = arith.addf %sub3A, %add3A_125 : vector<16xf32>
    %sub3A_127 = arith.subf %gather3A_78, %gather3A_30 : vector<16xf32>
    %add3A_128 = arith.constant 1.000000e+00 : f32
    %add3A_129 = vector.broadcast %add3A_128 : f32 to vector<16xf32>
    %add3A_130 = arith.addf %sub3A_127, %add3A_129 : vector<16xf32>
    %mul3A_131 = arith.mulf %add3A_126, %add3A_130 : vector<16xf32>
    %sub3A_132 = arith.subf %gather3A_57, %gather3A_9 : vector<16xf32>
    %add3A_133 = arith.constant 1.000000e+00 : f32
    %add3A_134 = vector.broadcast %add3A_133 : f32 to vector<16xf32>
    %add3A_135 = arith.addf %sub3A_132, %add3A_134 : vector<16xf32>
    %sub3A_136 = arith.subf %gather3A_81, %gather3A_33 : vector<16xf32>
    %add3A_137 = arith.constant 1.000000e+00 : f32
    %add3A_138 = vector.broadcast %add3A_137 : f32 to vector<16xf32>
    %add3A_139 = arith.addf %sub3A_136, %add3A_138 : vector<16xf32>
    %mul3A_140 = arith.mulf %add3A_135, %add3A_139 : vector<16xf32>
    %sub3A_141 = arith.subf %gather3A_60, %gather3A_12 : vector<16xf32>
    %add3A_142 = arith.constant 1.000000e+00 : f32
    %add3A_143 = vector.broadcast %add3A_142 : f32 to vector<16xf32>
    %add3A_144 = arith.addf %sub3A_141, %add3A_143 : vector<16xf32>
    %sub3A_145 = arith.subf %gather3A_84, %gather3A_36 : vector<16xf32>
    %add3A_146 = arith.constant 1.000000e+00 : f32
    %add3A_147 = vector.broadcast %add3A_146 : f32 to vector<16xf32>
    %add3A_148 = arith.addf %sub3A_145, %add3A_147 : vector<16xf32>
    %mul3A_149 = arith.mulf %add3A_144, %add3A_148 : vector<16xf32>
    %sub3A_150 = arith.subf %gather3A_63, %gather3A_15 : vector<16xf32>
    %add3A_151 = arith.constant 1.000000e+00 : f32
    %add3A_152 = vector.broadcast %add3A_151 : f32 to vector<16xf32>
    %add3A_153 = arith.addf %sub3A_150, %add3A_152 : vector<16xf32>
    %sub3A_154 = arith.subf %gather3A_87, %gather3A_39 : vector<16xf32>
    %add3A_155 = arith.constant 1.000000e+00 : f32
    %add3A_156 = vector.broadcast %add3A_155 : f32 to vector<16xf32>
    %add3A_157 = arith.addf %sub3A_154, %add3A_156 : vector<16xf32>
    %mul3A_158 = arith.mulf %add3A_153, %add3A_157 : vector<16xf32>
    %sub3A_159 = arith.subf %gather3A_66, %gather3A_18 : vector<16xf32>
    %add3A_160 = arith.constant 1.000000e+00 : f32
    %add3A_161 = vector.broadcast %add3A_160 : f32 to vector<16xf32>
    %add3A_162 = arith.addf %sub3A_159, %add3A_161 : vector<16xf32>
    %sub3A_163 = arith.subf %gather3A_90, %gather3A_42 : vector<16xf32>
    %add3A_164 = arith.constant 1.000000e+00 : f32
    %add3A_165 = vector.broadcast %add3A_164 : f32 to vector<16xf32>
    %add3A_166 = arith.addf %sub3A_163, %add3A_165 : vector<16xf32>
    %mul3A_167 = arith.mulf %add3A_162, %add3A_166 : vector<16xf32>
    %sub3A_168 = arith.subf %gather3A_69, %gather3A_21 : vector<16xf32>
    %add3A_169 = arith.constant 1.000000e+00 : f32
    %add3A_170 = vector.broadcast %add3A_169 : f32 to vector<16xf32>
    %add3A_171 = arith.addf %sub3A_168, %add3A_170 : vector<16xf32>
    %sub3A_172 = arith.subf %gather3A_93, %gather3A_45 : vector<16xf32>
    %add3A_173 = arith.constant 1.000000e+00 : f32
    %add3A_174 = vector.broadcast %add3A_173 : f32 to vector<16xf32>
    %add3A_175 = arith.addf %sub3A_172, %add3A_174 : vector<16xf32>
    %mul3A_176 = arith.mulf %add3A_171, %add3A_175 : vector<16xf32>
    %sub3A_177 = arith.subf %gather3A_72, %gather3A_24 : vector<16xf32>
    %add3A_178 = arith.constant 1.000000e+00 : f32
    %add3A_179 = vector.broadcast %add3A_178 : f32 to vector<16xf32>
    %add3A_180 = arith.addf %sub3A_177, %add3A_179 : vector<16xf32>
    %sub3A_181 = arith.subf %gather3A_96, %gather3A_48 : vector<16xf32>
    %add3A_182 = arith.constant 1.000000e+00 : f32
    %add3A_183 = vector.broadcast %add3A_182 : f32 to vector<16xf32>
    %add3A_184 = arith.addf %sub3A_181, %add3A_183 : vector<16xf32>
    %mul3A_185 = arith.mulf %add3A_180, %add3A_184 : vector<16xf32>
    %sub3A_186 = arith.subf %gather3A_75, %gather3A_27 : vector<16xf32>
    %add3A_187 = arith.constant 1.000000e+00 : f32
    %add3A_188 = vector.broadcast %add3A_187 : f32 to vector<16xf32>
    %add3A_189 = arith.addf %sub3A_186, %add3A_188 : vector<16xf32>
    %sub3A_190 = arith.subf %gather3A_99, %gather3A_51 : vector<16xf32>
    %add3A_191 = arith.constant 1.000000e+00 : f32
    %add3A_192 = vector.broadcast %add3A_191 : f32 to vector<16xf32>
    %add3A_193 = arith.addf %sub3A_190, %add3A_192 : vector<16xf32>
    %mul3A_194 = arith.mulf %add3A_189, %add3A_193 : vector<16xf32>
    %iota3A = tpu.iota {dimensions = array<i32: 0>} : vector<16xi32>
    %broadcast_in_dim3A_195 = arith.constant 0.000000e+00 : f32
    %broadcast_in_dim3A_196 = vector.broadcast %broadcast_in_dim3A_195 : f32 to vector<16xf32>
    %scan3A = arith.constant 0 : i32
    %scan3A_197 = arith.constant 0 : i32
    %scan3A_198 = arith.constant 40 : i32
    %scan3A_199 = arith.addi %scan3A_197, %scan3A_198 : i32
    %scan3A_200 = arith.constant 1 : i32
    %scan3A_201 = scf.for %scan3A_205 = %scan3A_197 to %scan3A_199 step %scan3A_200 iter_args(%scan3A_206 = %scan3A) -> (i32)  : i32 {
      %mul3A_207 = arith.constant 16 : i32
      %mul3A_208 = arith.muli %scan3A_205, %mul3A_207 : i32
      %add3A_209 = vector.broadcast %mul3A_208 : i32 to vector<16xi32>
      %add3A_210 = arith.addi %add3A_209, %iota3A : vector<16xi32>
      %mul3A_211 = arith.constant 4 : i32
      %mul3A_212 = vector.broadcast %mul3A_211 : i32 to vector<16xi32>
      %mul3A_213 = arith.muli %add3A_210, %mul3A_212 : vector<16xi32>
      %add3A_214 = arith.constant 0 : i32
      %add3A_215 = vector.broadcast %add3A_214 : i32 to vector<16xi32>
      %add3A_216 = arith.addi %mul3A_213, %add3A_215 : vector<16xi32>
      %gather3A_217 = tpu.vector_load_idx %arg6[%add3A_216] : memref<2560xf32, #tpu.memory_space<vmem>>[vector<16xi32>], vector<16xf32>,
      %add3A_218 = arith.constant 1 : i32
      %add3A_219 = vector.broadcast %add3A_218 : i32 to vector<16xi32>
      %add3A_220 = arith.addi %mul3A_213, %add3A_219 : vector<16xi32>
      %gather3A_221 = tpu.vector_load_idx %arg6[%add3A_220] : memref<2560xf32, #tpu.memory_space<vmem>>[vector<16xi32>], vector<16xf32>,
      %add3A_222 = arith.constant 2 : i32
      %add3A_223 = vector.broadcast %add3A_222 : i32 to vector<16xi32>
      %add3A_224 = arith.addi %mul3A_213, %add3A_223 : vector<16xi32>
      %gather3A_225 = tpu.vector_load_idx %arg6[%add3A_224] : memref<2560xf32, #tpu.memory_space<vmem>>[vector<16xi32>], vector<16xf32>,
      %add3A_226 = arith.constant 3 : i32
      %add3A_227 = vector.broadcast %add3A_226 : i32 to vector<16xi32>
      %add3A_228 = arith.addi %mul3A_213, %add3A_227 : vector<16xi32>
      %gather3A_229 = tpu.vector_load_idx %arg6[%add3A_228] : memref<2560xf32, #tpu.memory_space<vmem>>[vector<16xi32>], vector<16xf32>,
      %sub3A_230 = arith.subf %gather3A_225, %gather3A_217 : vector<16xf32>
      %add3A_231 = arith.constant 1.000000e+00 : f32
      %add3A_232 = vector.broadcast %add3A_231 : f32 to vector<16xf32>
      %add3A_233 = arith.addf %sub3A_230, %add3A_232 : vector<16xf32>
      %sub3A_234 = arith.subf %gather3A_229, %gather3A_221 : vector<16xf32>
      %add3A_235 = arith.constant 1.000000e+00 : f32
      %add3A_236 = vector.broadcast %add3A_235 : f32 to vector<16xf32>
      %add3A_237 = arith.addf %sub3A_234, %add3A_236 : vector<16xf32>
      %mul3A_238 = arith.mulf %add3A_233, %add3A_237 : vector<16xf32>
      %mul3A_239 = arith.constant 35 : i32
      %mul3A_240 = arith.muli %mul3A_208, %mul3A_239 : i32
      %add3A_241 = arith.constant 0 : i32
      %add3A_242 = arith.addi %mul3A_240, %add3A_241 : i32
      %swap3A = arith.index_cast %add3A_242 : i32 to index
      %swap3A_243 = tpu.vector_load %arg9[%swap3A] {strides = array<i32>} : memref<22400xf32, #tpu.memory_space<vmem>>, vector<16xf32>,
      tpu.vector_store %arg9[%swap3A], %broadcast_in_dim3A_196 {strides = array<i32>} : memref<22400xf32, #tpu.memory_space<vmem>>, vector<16xf32>,
      %mul3A_244 = arith.constant 35 : i32
      %mul3A_245 = arith.muli %mul3A_208, %mul3A_244 : i32
      %add3A_246 = arith.constant 16 : i32
      %add3A_247 = arith.addi %mul3A_245, %add3A_246 : i32
      %swap3A_248 = arith.index_cast %add3A_247 : i32 to index
      %swap3A_249 = tpu.vector_load %arg9[%swap3A_248] {strides = array<i32>} : memref<22400xf32, #tpu.memory_space<vmem>>, vector<16xf32>,
      tpu.vector_store %arg9[%swap3A_248], %broadcast_in_dim3A_196 {strides = array<i32>} : memref<22400xf32, #tpu.memory_space<vmem>>, vector<16xf32>,
      %mul3A_250 = arith.constant 35 : i32
      %mul3A_251 = arith.muli %mul3A_208, %mul3A_250 : i32
      %add3A_252 = arith.constant 32 : i32
      %add3A_253 = arith.addi %mul3A_251, %add3A_252 : i32
      %swap3A_254 = arith.index_cast %add3A_253 : i32 to index
      %swap3A_255 = tpu.vector_load %arg9[%swap3A_254] {strides = array<i32>} : memref<22400xf32, #tpu.memory_space<vmem>>, vector<16xf32>,
      tpu.vector_store %arg9[%swap3A_254], %broadcast_in_dim3A_196 {strides = array<i32>} : memref<22400xf32, #tpu.memory_space<vmem>>, vector<16xf32>,
      %mul3A_256 = arith.constant 35 : i32
      %mul3A_257 = arith.muli %mul3A_208, %mul3A_256 : i32
      %add3A_258 = arith.constant 48 : i32
      %add3A_259 = arith.addi %mul3A_257, %add3A_258 : i32
      %swap3A_260 = arith.index_cast %add3A_259 : i32 to index
      %swap3A_261 = tpu.vector_load %arg9[%swap3A_260] {strides = array<i32>} : memref<22400xf32, #tpu.memory_space<vmem>>, vector<16xf32>,
      tpu.vector_store %arg9[%swap3A_260], %broadcast_in_dim3A_196 {strides = array<i32>} : memref<22400xf32, #tpu.memory_space<vmem>>, vector<16xf32>,
      %mul3A_262 = arith.constant 35 : i32
      %mul3A_263 = arith.muli %mul3A_208, %mul3A_262 : i32
      %add3A_264 = arith.constant 64 : i32
      %add3A_265 = arith.addi %mul3A_263, %add3A_264 : i32
      %swap3A_266 = arith.index_cast %add3A_265 : i32 to index
      %swap3A_267 = tpu.vector_load %arg9[%swap3A_266] {strides = array<i32>} : memref<22400xf32, #tpu.memory_space<vmem>>, vector<16xf32>,
      tpu.vector_store %arg9[%swap3A_266], %broadcast_in_dim3A_196 {strides = array<i32>} : memref<22400xf32, #tpu.memory_space<vmem>>, vector<16xf32>,
      %mul3A_268 = arith.constant 35 : i32
      %mul3A_269 = arith.muli %mul3A_208, %mul3A_268 : i32
      %add3A_270 = arith.constant 80 : i32
      %add3A_271 = arith.addi %mul3A_269, %add3A_270 : i32
      %swap3A_272 = arith.index_cast %add3A_271 : i32 to index
      %swap3A_273 = tpu.vector_load %arg9[%swap3A_272] {strides = array<i32>} : memref<22400xf32, #tpu.memory_space<vmem>>, vector<16xf32>,
      tpu.vector_store %arg9[%swap3A_272], %broadcast_in_dim3A_196 {strides = array<i32>} : memref<22400xf32, #tpu.memory_space<vmem>>, vector<16xf32>,
      %mul3A_274 = arith.constant 35 : i32
      %mul3A_275 = arith.muli %mul3A_208, %mul3A_274 : i32
      %add3A_276 = arith.constant 96 : i32
      %add3A_277 = arith.addi %mul3A_275, %add3A_276 : i32
      %swap3A_278 = arith.index_cast %add3A_277 : i32 to index
      %swap3A_279 = tpu.vector_load %arg9[%swap3A_278] {strides = array<i32>} : memref<22400xf32, #tpu.memory_space<vmem>>, vector<16xf32>,
      tpu.vector_store %arg9[%swap3A_278], %broadcast_in_dim3A_196 {strides = array<i32>} : memref<22400xf32, #tpu.memory_space<vmem>>, vector<16xf32>,
      %mul3A_280 = arith.constant 35 : i32
      %mul3A_281 = arith.muli %mul3A_208, %mul3A_280 : i32
      %add3A_282 = arith.constant 112 : i32
      %add3A_283 = arith.addi %mul3A_281, %add3A_282 : i32
      %swap3A_284 = arith.index_cast %add3A_283 : i32 to index
      %swap3A_285 = tpu.vector_load %arg9[%swap3A_284] {strides = array<i32>} : memref<22400xf32, #tpu.memory_space<vmem>>, vector<16xf32>,
      tpu.vector_store %arg9[%swap3A_284], %broadcast_in_dim3A_196 {strides = array<i32>} : memref<22400xf32, #tpu.memory_space<vmem>>, vector<16xf32>,
      %mul3A_286 = arith.constant 35 : i32
      %mul3A_287 = arith.muli %mul3A_208, %mul3A_286 : i32
      %add3A_288 = arith.constant 128 : i32
      %add3A_289 = arith.addi %mul3A_287, %add3A_288 : i32
      %swap3A_290 = arith.index_cast %add3A_289 : i32 to index
      %swap3A_291 = tpu.vector_load %arg9[%swap3A_290] {strides = array<i32>} : memref<22400xf32, #tpu.memory_space<vmem>>, vector<16xf32>,
      tpu.vector_store %arg9[%swap3A_290], %broadcast_in_dim3A_196 {strides = array<i32>} : memref<22400xf32, #tpu.memory_space<vmem>>, vector<16xf32>,
      %mul3A_292 = arith.constant 35 : i32
      %mul3A_293 = arith.muli %mul3A_208, %mul3A_292 : i32
      %add3A_294 = arith.constant 144 : i32
      %add3A_295 = arith.addi %mul3A_293, %add3A_294 : i32
      %swap3A_296 = arith.index_cast %add3A_295 : i32 to index
      %swap3A_297 = tpu.vector_load %arg9[%swap3A_296] {strides = array<i32>} : memref<22400xf32, #tpu.memory_space<vmem>>, vector<16xf32>,
      tpu.vector_store %arg9[%swap3A_296], %broadcast_in_dim3A_196 {strides = array<i32>} : memref<22400xf32, #tpu.memory_space<vmem>>, vector<16xf32>,
      %mul3A_298 = arith.constant 35 : i32
      %mul3A_299 = arith.muli %mul3A_208, %mul3A_298 : i32
      %add3A_300 = arith.constant 160 : i32
      %add3A_301 = arith.addi %mul3A_299, %add3A_300 : i32
      %swap3A_302 = arith.index_cast %add3A_301 : i32 to index
      %swap3A_303 = tpu.vector_load %arg9[%swap3A_302] {strides = array<i32>} : memref<22400xf32, #tpu.memory_space<vmem>>, vector<16xf32>,
      tpu.vector_store %arg9[%swap3A_302], %broadcast_in_dim3A_196 {strides = array<i32>} : memref<22400xf32, #tpu.memory_space<vmem>>, vector<16xf32>,
      %mul3A_304 = arith.constant 35 : i32
      %mul3A_305 = arith.muli %mul3A_208, %mul3A_304 : i32
      %add3A_306 = arith.constant 176 : i32
      %add3A_307 = arith.addi %mul3A_305, %add3A_306 : i32
      %swap3A_308 = arith.index_cast %add3A_307 : i32 to index
      %swap3A_309 = tpu.vector_load %arg9[%swap3A_308] {strides = array<i32>} : memref<22400xf32, #tpu.memory_space<vmem>>, vector<16xf32>,
      tpu.vector_store %arg9[%swap3A_308], %broadcast_in_dim3A_196 {strides = array<i32>} : memref<22400xf32, #tpu.memory_space<vmem>>, vector<16xf32>,
      %mul3A_310 = arith.constant 35 : i32
      %mul3A_311 = arith.muli %mul3A_208, %mul3A_310 : i32
      %add3A_312 = arith.constant 192 : i32
      %add3A_313 = arith.addi %mul3A_311, %add3A_312 : i32
      %swap3A_314 = arith.index_cast %add3A_313 : i32 to index
      %swap3A_315 = tpu.vector_load %arg9[%swap3A_314] {strides = array<i32>} : memref<22400xf32, #tpu.memory_space<vmem>>, vector<16xf32>,
      tpu.vector_store %arg9[%swap3A_314], %broadcast_in_dim3A_196 {strides = array<i32>} : memref<22400xf32, #tpu.memory_space<vmem>>, vector<16xf32>,
      %mul3A_316 = arith.constant 35 : i32
      %mul3A_317 = arith.muli %mul3A_208, %mul3A_316 : i32
      %add3A_318 = arith.constant 208 : i32
      %add3A_319 = arith.addi %mul3A_317, %add3A_318 : i32
      %swap3A_320 = arith.index_cast %add3A_319 : i32 to index
      %swap3A_321 = tpu.vector_load %arg9[%swap3A_320] {strides = array<i32>} : memref<22400xf32, #tpu.memory_space<vmem>>, vector<16xf32>,
      tpu.vector_store %arg9[%swap3A_320], %broadcast_in_dim3A_196 {strides = array<i32>} : memref<22400xf32, #tpu.memory_space<vmem>>, vector<16xf32>,
      %mul3A_322 = arith.constant 35 : i32
      %mul3A_323 = arith.muli %mul3A_208, %mul3A_322 : i32
      %add3A_324 = arith.constant 224 : i32
      %add3A_325 = arith.addi %mul3A_323, %add3A_324 : i32
      %swap3A_326 = arith.index_cast %add3A_325 : i32 to index
      %swap3A_327 = tpu.vector_load %arg9[%swap3A_326] {strides = array<i32>} : memref<22400xf32, #tpu.memory_space<vmem>>, vector<16xf32>,
      tpu.vector_store %arg9[%swap3A_326], %broadcast_in_dim3A_196 {strides = array<i32>} : memref<22400xf32, #tpu.memory_space<vmem>>, vector<16xf32>,
      %mul3A_328 = arith.constant 35 : i32
      %mul3A_329 = arith.muli %mul3A_208, %mul3A_328 : i32
      %add3A_330 = arith.constant 240 : i32
      %add3A_331 = arith.addi %mul3A_329, %add3A_330 : i32
      %swap3A_332 = arith.index_cast %add3A_331 : i32 to index
      %swap3A_333 = tpu.vector_load %arg9[%swap3A_332] {strides = array<i32>} : memref<22400xf32, #tpu.memory_space<vmem>>, vector<16xf32>,
      tpu.vector_store %arg9[%swap3A_332], %broadcast_in_dim3A_196 {strides = array<i32>} : memref<22400xf32, #tpu.memory_space<vmem>>, vector<16xf32>,
      %mul3A_334 = arith.constant 35 : i32
      %mul3A_335 = arith.muli %mul3A_208, %mul3A_334 : i32
      %add3A_336 = arith.constant 256 : i32
      %add3A_337 = arith.addi %mul3A_335, %add3A_336 : i32
      %swap3A_338 = arith.index_cast %add3A_337 : i32 to index
      %swap3A_339 = tpu.vector_load %arg9[%swap3A_338] {strides = array<i32>} : memref<22400xf32, #tpu.memory_space<vmem>>, vector<16xf32>,
      tpu.vector_store %arg9[%swap3A_338], %broadcast_in_dim3A_196 {strides = array<i32>} : memref<22400xf32, #tpu.memory_space<vmem>>, vector<16xf32>,
      %mul3A_340 = arith.constant 35 : i32
      %mul3A_341 = arith.muli %mul3A_208, %mul3A_340 : i32
      %add3A_342 = arith.constant 272 : i32
      %add3A_343 = arith.addi %mul3A_341, %add3A_342 : i32
      %swap3A_344 = arith.index_cast %add3A_343 : i32 to index
      %swap3A_345 = tpu.vector_load %arg9[%swap3A_344] {strides = array<i32>} : memref<22400xf32, #tpu.memory_space<vmem>>, vector<16xf32>,
      tpu.vector_store %arg9[%swap3A_344], %broadcast_in_dim3A_196 {strides = array<i32>} : memref<22400xf32, #tpu.memory_space<vmem>>, vector<16xf32>,
      %mul3A_346 = arith.constant 35 : i32
      %mul3A_347 = arith.muli %mul3A_208, %mul3A_346 : i32
      %add3A_348 = arith.constant 288 : i32
      %add3A_349 = arith.addi %mul3A_347, %add3A_348 : i32
      %swap3A_350 = arith.index_cast %add3A_349 : i32 to index
      %swap3A_351 = tpu.vector_load %arg9[%swap3A_350] {strides = array<i32>} : memref<22400xf32, #tpu.memory_space<vmem>>, vector<16xf32>,
      tpu.vector_store %arg9[%swap3A_350], %broadcast_in_dim3A_196 {strides = array<i32>} : memref<22400xf32, #tpu.memory_space<vmem>>, vector<16xf32>,
      %mul3A_352 = arith.constant 35 : i32
      %mul3A_353 = arith.muli %mul3A_208, %mul3A_352 : i32
      %add3A_354 = arith.constant 304 : i32
      %add3A_355 = arith.addi %mul3A_353, %add3A_354 : i32
      %swap3A_356 = arith.index_cast %add3A_355 : i32 to index
      %swap3A_357 = tpu.vector_load %arg9[%swap3A_356] {strides = array<i32>} : memref<22400xf32, #tpu.memory_space<vmem>>, vector<16xf32>,
      tpu.vector_store %arg9[%swap3A_356], %broadcast_in_dim3A_196 {strides = array<i32>} : memref<22400xf32, #tpu.memory_space<vmem>>, vector<16xf32>,
      %mul3A_358 = arith.constant 35 : i32
      %mul3A_359 = arith.muli %mul3A_208, %mul3A_358 : i32
      %add3A_360 = arith.constant 320 : i32
      %add3A_361 = arith.addi %mul3A_359, %add3A_360 : i32
      %swap3A_362 = arith.index_cast %add3A_361 : i32 to index
      %swap3A_363 = tpu.vector_load %arg9[%swap3A_362] {strides = array<i32>} : memref<22400xf32, #tpu.memory_space<vmem>>, vector<16xf32>,
      tpu.vector_store %arg9[%swap3A_362], %broadcast_in_dim3A_196 {strides = array<i32>} : memref<22400xf32, #tpu.memory_space<vmem>>, vector<16xf32>,
      %mul3A_364 = arith.constant 35 : i32
      %mul3A_365 = arith.muli %mul3A_208, %mul3A_364 : i32
      %add3A_366 = arith.constant 336 : i32
      %add3A_367 = arith.addi %mul3A_365, %add3A_366 : i32
      %swap3A_368 = arith.index_cast %add3A_367 : i32 to index
      %swap3A_369 = tpu.vector_load %arg9[%swap3A_368] {strides = array<i32>} : memref<22400xf32, #tpu.memory_space<vmem>>, vector<16xf32>,
      tpu.vector_store %arg9[%swap3A_368], %broadcast_in_dim3A_196 {strides = array<i32>} : memref<22400xf32, #tpu.memory_space<vmem>>, vector<16xf32>,
      %mul3A_370 = arith.constant 35 : i32
      %mul3A_371 = arith.muli %mul3A_208, %mul3A_370 : i32
      %add3A_372 = arith.constant 352 : i32
      %add3A_373 = arith.addi %mul3A_371, %add3A_372 : i32
      %swap3A_374 = arith.index_cast %add3A_373 : i32 to index
      %swap3A_375 = tpu.vector_load %arg9[%swap3A_374] {strides = array<i32>} : memref<22400xf32, #tpu.memory_space<vmem>>, vector<16xf32>,
      tpu.vector_store %arg9[%swap3A_374], %broadcast_in_dim3A_196 {strides = array<i32>} : memref<22400xf32, #tpu.memory_space<vmem>>, vector<16xf32>,
      %mul3A_376 = arith.constant 35 : i32
      %mul3A_377 = arith.muli %mul3A_208, %mul3A_376 : i32
      %add3A_378 = arith.constant 368 : i32
      %add3A_379 = arith.addi %mul3A_377, %add3A_378 : i32
      %swap3A_380 = arith.index_cast %add3A_379 : i32 to index
      %swap3A_381 = tpu.vector_load %arg9[%swap3A_380] {strides = array<i32>} : memref<22400xf32, #tpu.memory_space<vmem>>, vector<16xf32>,
      tpu.vector_store %arg9[%swap3A_380], %broadcast_in_dim3A_196 {strides = array<i32>} : memref<22400xf32, #tpu.memory_space<vmem>>, vector<16xf32>,
      %mul3A_382 = arith.constant 35 : i32
      %mul3A_383 = arith.muli %mul3A_208, %mul3A_382 : i32
      %add3A_384 = arith.constant 384 : i32
      %add3A_385 = arith.addi %mul3A_383, %add3A_384 : i32
      %swap3A_386 = arith.index_cast %add3A_385 : i32 to index
      %swap3A_387 = tpu.vector_load %arg9[%swap3A_386] {strides = array<i32>} : memref<22400xf32, #tpu.memory_space<vmem>>, vector<16xf32>,
      tpu.vector_store %arg9[%swap3A_386], %broadcast_in_dim3A_196 {strides = array<i32>} : memref<22400xf32, #tpu.memory_space<vmem>>, vector<16xf32>,
      %mul3A_388 = arith.constant 35 : i32
      %mul3A_389 = arith.muli %mul3A_208, %mul3A_388 : i32
      %add3A_390 = arith.constant 400 : i32
      %add3A_391 = arith.addi %mul3A_389, %add3A_390 : i32
      %swap3A_392 = arith.index_cast %add3A_391 : i32 to index
      %swap3A_393 = tpu.vector_load %arg9[%swap3A_392] {strides = array<i32>} : memref<22400xf32, #tpu.memory_space<vmem>>, vector<16xf32>,
      tpu.vector_store %arg9[%swap3A_392], %broadcast_in_dim3A_196 {strides = array<i32>} : memref<22400xf32, #tpu.memory_space<vmem>>, vector<16xf32>,
      %mul3A_394 = arith.constant 35 : i32
      %mul3A_395 = arith.muli %mul3A_208, %mul3A_394 : i32
      %add3A_396 = arith.constant 416 : i32
      %add3A_397 = arith.addi %mul3A_395, %add3A_396 : i32
      %swap3A_398 = arith.index_cast %add3A_397 : i32 to index
      %swap3A_399 = tpu.vector_load %arg9[%swap3A_398] {strides = array<i32>} : memref<22400xf32, #tpu.memory_space<vmem>>, vector<16xf32>,
      tpu.vector_store %arg9[%swap3A_398], %broadcast_in_dim3A_196 {strides = array<i32>} : memref<22400xf32, #tpu.memory_space<vmem>>, vector<16xf32>,
      %mul3A_400 = arith.constant 35 : i32
      %mul3A_401 = arith.muli %mul3A_208, %mul3A_400 : i32
      %add3A_402 = arith.constant 432 : i32
      %add3A_403 = arith.addi %mul3A_401, %add3A_402 : i32
      %swap3A_404 = arith.index_cast %add3A_403 : i32 to index
      %swap3A_405 = tpu.vector_load %arg9[%swap3A_404] {strides = array<i32>} : memref<22400xf32, #tpu.memory_space<vmem>>, vector<16xf32>,
      tpu.vector_store %arg9[%swap3A_404], %broadcast_in_dim3A_196 {strides = array<i32>} : memref<22400xf32, #tpu.memory_space<vmem>>, vector<16xf32>,
      %mul3A_406 = arith.constant 35 : i32
      %mul3A_407 = arith.muli %mul3A_208, %mul3A_406 : i32
      %add3A_408 = arith.constant 448 : i32
      %add3A_409 = arith.addi %mul3A_407, %add3A_408 : i32
      %swap3A_410 = arith.index_cast %add3A_409 : i32 to index
      %swap3A_411 = tpu.vector_load %arg9[%swap3A_410] {strides = array<i32>} : memref<22400xf32, #tpu.memory_space<vmem>>, vector<16xf32>,
      tpu.vector_store %arg9[%swap3A_410], %broadcast_in_dim3A_196 {strides = array<i32>} : memref<22400xf32, #tpu.memory_space<vmem>>, vector<16xf32>,
      %mul3A_412 = arith.constant 35 : i32
      %mul3A_413 = arith.muli %mul3A_208, %mul3A_412 : i32
      %add3A_414 = arith.constant 464 : i32
      %add3A_415 = arith.addi %mul3A_413, %add3A_414 : i32
      %swap3A_416 = arith.index_cast %add3A_415 : i32 to index
      %swap3A_417 = tpu.vector_load %arg9[%swap3A_416] {strides = array<i32>} : memref<22400xf32, #tpu.memory_space<vmem>>, vector<16xf32>,
      tpu.vector_store %arg9[%swap3A_416], %broadcast_in_dim3A_196 {strides = array<i32>} : memref<22400xf32, #tpu.memory_space<vmem>>, vector<16xf32>,
      %mul3A_418 = arith.constant 35 : i32
      %mul3A_419 = arith.muli %mul3A_208, %mul3A_418 : i32
      %add3A_420 = arith.constant 480 : i32
      %add3A_421 = arith.addi %mul3A_419, %add3A_420 : i32
      %swap3A_422 = arith.index_cast %add3A_421 : i32 to index
      %swap3A_423 = tpu.vector_load %arg9[%swap3A_422] {strides = array<i32>} : memref<22400xf32, #tpu.memory_space<vmem>>, vector<16xf32>,
      tpu.vector_store %arg9[%swap3A_422], %broadcast_in_dim3A_196 {strides = array<i32>} : memref<22400xf32, #tpu.memory_space<vmem>>, vector<16xf32>,
      %mul3A_424 = arith.constant 35 : i32
      %mul3A_425 = arith.muli %mul3A_208, %mul3A_424 : i32
      %add3A_426 = arith.constant 496 : i32
      %add3A_427 = arith.addi %mul3A_425, %add3A_426 : i32
      %swap3A_428 = arith.index_cast %add3A_427 : i32 to index
      %swap3A_429 = tpu.vector_load %arg9[%swap3A_428] {strides = array<i32>} : memref<22400xf32, #tpu.memory_space<vmem>>, vector<16xf32>,
      tpu.vector_store %arg9[%swap3A_428], %broadcast_in_dim3A_196 {strides = array<i32>} : memref<22400xf32, #tpu.memory_space<vmem>>, vector<16xf32>,
      %mul3A_430 = arith.constant 35 : i32
      %mul3A_431 = arith.muli %mul3A_208, %mul3A_430 : i32
      %add3A_432 = arith.constant 512 : i32
      %add3A_433 = arith.addi %mul3A_431, %add3A_432 : i32
      %swap3A_434 = arith.index_cast %add3A_433 : i32 to index
      %swap3A_435 = tpu.vector_load %arg9[%swap3A_434] {strides = array<i32>} : memref<22400xf32, #tpu.memory_space<vmem>>, vector<16xf32>,
      tpu.vector_store %arg9[%swap3A_434], %broadcast_in_dim3A_196 {strides = array<i32>} : memref<22400xf32, #tpu.memory_space<vmem>>, vector<16xf32>,
      %mul3A_436 = arith.constant 35 : i32
      %mul3A_437 = arith.muli %mul3A_208, %mul3A_436 : i32
      %add3A_438 = arith.constant 528 : i32
      %add3A_439 = arith.addi %mul3A_437, %add3A_438 : i32
      %swap3A_440 = arith.index_cast %add3A_439 : i32 to index
      %swap3A_441 = tpu.vector_load %arg9[%swap3A_440] {strides = array<i32>} : memref<22400xf32, #tpu.memory_space<vmem>>, vector<16xf32>,
      tpu.vector_store %arg9[%swap3A_440], %broadcast_in_dim3A_196 {strides = array<i32>} : memref<22400xf32, #tpu.memory_space<vmem>>, vector<16xf32>,
      %mul3A_442 = arith.constant 35 : i32
      %mul3A_443 = arith.muli %mul3A_208, %mul3A_442 : i32
      %add3A_444 = arith.constant 544 : i32
      %add3A_445 = arith.addi %mul3A_443, %add3A_444 : i32
      %swap3A_446 = arith.index_cast %add3A_445 : i32 to index
      %swap3A_447 = tpu.vector_load %arg9[%swap3A_446] {strides = array<i32>} : memref<22400xf32, #tpu.memory_space<vmem>>, vector<16xf32>,
      tpu.vector_store %arg9[%swap3A_446], %broadcast_in_dim3A_196 {strides = array<i32>} : memref<22400xf32, #tpu.memory_space<vmem>>, vector<16xf32>,
      %mul3A_448 = arith.constant 35 : i32
      %mul3A_449 = vector.broadcast %mul3A_448 : i32 to vector<16xi32>
      %mul3A_450 = arith.muli %add3A_210, %mul3A_449 : vector<16xi32>
      %broadcast_in_dim3A_451 = arith.constant -1.000000e+00 : f32
      %broadcast_in_dim3A_452 = vector.broadcast %broadcast_in_dim3A_451 : f32 to vector<16xf32>
      %min3A = arith.minimumf %gather3A_225, %gather3A_54 : vector<16xf32>
      %max3A = arith.maximumf %gather3A_217, %gather3A : vector<16xf32>
      %sub3A_453 = arith.subf %min3A, %max3A : vector<16xf32>
      %add3A_454 = arith.constant 1.000000e+00 : f32
      %add3A_455 = vector.broadcast %add3A_454 : f32 to vector<16xf32>
      %add3A_456 = arith.addf %sub3A_453, %add3A_455 : vector<16xf32>
      %max3A_457 = arith.constant 0.000000e+00 : f32
      %max3A_458 = vector.broadcast %max3A_457 : f32 to vector<16xf32>
      %max3A_459 = arith.maximumf %add3A_456, %max3A_458 : vector<16xf32>
      %min3A_460 = arith.minimumf %gather3A_229, %gather3A_78 : vector<16xf32>
      %max3A_461 = arith.maximumf %gather3A_221, %gather3A_30 : vector<16xf32>
      %sub3A_462 = arith.subf %min3A_460, %max3A_461 : vector<16xf32>
      %add3A_463 = arith.constant 1.000000e+00 : f32
      %add3A_464 = vector.broadcast %add3A_463 : f32 to vector<16xf32>
      %add3A_465 = arith.addf %sub3A_462, %add3A_464 : vector<16xf32>
      %max3A_466 = arith.constant 0.000000e+00 : f32
      %max3A_467 = vector.broadcast %max3A_466 : f32 to vector<16xf32>
      %max3A_468 = arith.maximumf %add3A_465, %max3A_467 : vector<16xf32>
      %mul3A_469 = arith.mulf %max3A_459, %max3A_468 : vector<16xf32>
      %add3A_470 = arith.addf %mul3A_238, %mul3A_131 : vector<16xf32>
      %sub3A_471 = arith.subf %add3A_470, %mul3A_469 : vector<16xf32>
      %max3A_472 = arith.constant 9.99999997E-7 : f32
      %max3A_473 = vector.broadcast %max3A_472 : f32 to vector<16xf32>
      %max3A_474 = arith.maximumf %sub3A_471, %max3A_473 : vector<16xf32>
      %div3A = arith.divf %mul3A_469, %max3A_474 : vector<16xf32>
      %add3A_475 = arith.addi %mul3A_450, %gather3A_102 : vector<16xi32>
      %gather3A_476 = tpu.vector_load_idx %arg9[%add3A_475] : memref<22400xf32, #tpu.memory_space<vmem>>[vector<16xi32>], vector<16xf32>,
      %max3A_477 = arith.maximumf %gather3A_476, %div3A : vector<16xf32>
      tpu.vector_store_idx %arg9[%add3A_475], %max3A_477 : memref<22400xf32, #tpu.memory_space<vmem>>[vector<16xi32>], vector<16xf32>,
      %gt3A = arith.cmpf ogt, %div3A, %broadcast_in_dim3A_452 : vector<16xf32>
      %select_n3A_478 = arith.select %gt3A, %div3A, %broadcast_in_dim3A_452 : vector<16xi1>, vector<16xf32>
      %select_n3A_479 = arith.select %gt3A, %gather3A, %broadcast_in_dim3A_196 : vector<16xi1>, vector<16xf32>
      %select_n3A_480 = arith.select %gt3A, %gather3A_30, %broadcast_in_dim3A_196 : vector<16xi1>, vector<16xf32>
      %select_n3A_481 = arith.select %gt3A, %gather3A_54, %broadcast_in_dim3A_196 : vector<16xi1>, vector<16xf32>
      %select_n3A_482 = arith.select %gt3A, %gather3A_78, %broadcast_in_dim3A_196 : vector<16xi1>, vector<16xf32>
      %min3A_483 = arith.minimumf %gather3A_225, %gather3A_57 : vector<16xf32>
      %max3A_484 = arith.maximumf %gather3A_217, %gather3A_9 : vector<16xf32>
      %sub3A_485 = arith.subf %min3A_483, %max3A_484 : vector<16xf32>
      %add3A_486 = arith.constant 1.000000e+00 : f32
      %add3A_487 = vector.broadcast %add3A_486 : f32 to vector<16xf32>
      %add3A_488 = arith.addf %sub3A_485, %add3A_487 : vector<16xf32>
      %max3A_489 = arith.constant 0.000000e+00 : f32
      %max3A_490 = vector.broadcast %max3A_489 : f32 to vector<16xf32>
      %max3A_491 = arith.maximumf %add3A_488, %max3A_490 : vector<16xf32>
      %min3A_492 = arith.minimumf %gather3A_229, %gather3A_81 : vector<16xf32>
      %max3A_493 = arith.maximumf %gather3A_221, %gather3A_33 : vector<16xf32>
      %sub3A_494 = arith.subf %min3A_492, %max3A_493 : vector<16xf32>
      %add3A_495 = arith.constant 1.000000e+00 : f32
      %add3A_496 = vector.broadcast %add3A_495 : f32 to vector<16xf32>
      %add3A_497 = arith.addf %sub3A_494, %add3A_496 : vector<16xf32>
      %max3A_498 = arith.constant 0.000000e+00 : f32
      %max3A_499 = vector.broadcast %max3A_498 : f32 to vector<16xf32>
      %max3A_500 = arith.maximumf %add3A_497, %max3A_499 : vector<16xf32>
      %mul3A_501 = arith.mulf %max3A_491, %max3A_500 : vector<16xf32>
      %add3A_502 = arith.addf %mul3A_238, %mul3A_140 : vector<16xf32>
      %sub3A_503 = arith.subf %add3A_502, %mul3A_501 : vector<16xf32>
      %max3A_504 = arith.constant 9.99999997E-7 : f32
      %max3A_505 = vector.broadcast %max3A_504 : f32 to vector<16xf32>
      %max3A_506 = arith.maximumf %sub3A_503, %max3A_505 : vector<16xf32>
      %div3A_507 = arith.divf %mul3A_501, %max3A_506 : vector<16xf32>
      %add3A_508 = arith.addi %mul3A_450, %gather3A_105 : vector<16xi32>
      %gather3A_509 = tpu.vector_load_idx %arg9[%add3A_508] : memref<22400xf32, #tpu.memory_space<vmem>>[vector<16xi32>], vector<16xf32>,
      %max3A_510 = arith.maximumf %gather3A_509, %div3A_507 : vector<16xf32>
      tpu.vector_store_idx %arg9[%add3A_508], %max3A_510 : memref<22400xf32, #tpu.memory_space<vmem>>[vector<16xi32>], vector<16xf32>,
      %gt3A_511 = arith.cmpf ogt, %div3A_507, %select_n3A_478 : vector<16xf32>
      %select_n3A_512 = arith.select %gt3A_511, %div3A_507, %select_n3A_478 : vector<16xi1>, vector<16xf32>
      %select_n3A_513 = arith.select %gt3A_511, %gather3A_9, %select_n3A_479 : vector<16xi1>, vector<16xf32>
      %select_n3A_514 = arith.select %gt3A_511, %gather3A_33, %select_n3A_480 : vector<16xi1>, vector<16xf32>
      %select_n3A_515 = arith.select %gt3A_511, %gather3A_57, %select_n3A_481 : vector<16xi1>, vector<16xf32>
      %select_n3A_516 = arith.select %gt3A_511, %gather3A_81, %select_n3A_482 : vector<16xi1>, vector<16xf32>
      %min3A_517 = arith.minimumf %gather3A_225, %gather3A_60 : vector<16xf32>
      %max3A_518 = arith.maximumf %gather3A_217, %gather3A_12 : vector<16xf32>
      %sub3A_519 = arith.subf %min3A_517, %max3A_518 : vector<16xf32>
      %add3A_520 = arith.constant 1.000000e+00 : f32
      %add3A_521 = vector.broadcast %add3A_520 : f32 to vector<16xf32>
      %add3A_522 = arith.addf %sub3A_519, %add3A_521 : vector<16xf32>
      %max3A_523 = arith.constant 0.000000e+00 : f32
      %max3A_524 = vector.broadcast %max3A_523 : f32 to vector<16xf32>
      %max3A_525 = arith.maximumf %add3A_522, %max3A_524 : vector<16xf32>
      %min3A_526 = arith.minimumf %gather3A_229, %gather3A_84 : vector<16xf32>
      %max3A_527 = arith.maximumf %gather3A_221, %gather3A_36 : vector<16xf32>
      %sub3A_528 = arith.subf %min3A_526, %max3A_527 : vector<16xf32>
      %add3A_529 = arith.constant 1.000000e+00 : f32
      %add3A_530 = vector.broadcast %add3A_529 : f32 to vector<16xf32>
      %add3A_531 = arith.addf %sub3A_528, %add3A_530 : vector<16xf32>
      %max3A_532 = arith.constant 0.000000e+00 : f32
      %max3A_533 = vector.broadcast %max3A_532 : f32 to vector<16xf32>
      %max3A_534 = arith.maximumf %add3A_531, %max3A_533 : vector<16xf32>
      %mul3A_535 = arith.mulf %max3A_525, %max3A_534 : vector<16xf32>
      %add3A_536 = arith.addf %mul3A_238, %mul3A_149 : vector<16xf32>
      %sub3A_537 = arith.subf %add3A_536, %mul3A_535 : vector<16xf32>
      %max3A_538 = arith.constant 9.99999997E-7 : f32
      %max3A_539 = vector.broadcast %max3A_538 : f32 to vector<16xf32>
      %max3A_540 = arith.maximumf %sub3A_537, %max3A_539 : vector<16xf32>
      %div3A_541 = arith.divf %mul3A_535, %max3A_540 : vector<16xf32>
      %add3A_542 = arith.addi %mul3A_450, %gather3A_108 : vector<16xi32>
      %gather3A_543 = tpu.vector_load_idx %arg9[%add3A_542] : memref<22400xf32, #tpu.memory_space<vmem>>[vector<16xi32>], vector<16xf32>,
      %max3A_544 = arith.maximumf %gather3A_543, %div3A_541 : vector<16xf32>
      tpu.vector_store_idx %arg9[%add3A_542], %max3A_544 : memref<22400xf32, #tpu.memory_space<vmem>>[vector<16xi32>], vector<16xf32>,
      %gt3A_545 = arith.cmpf ogt, %div3A_541, %select_n3A_512 : vector<16xf32>
      %select_n3A_546 = arith.select %gt3A_545, %div3A_541, %select_n3A_512 : vector<16xi1>, vector<16xf32>
      %select_n3A_547 = arith.select %gt3A_545, %gather3A_12, %select_n3A_513 : vector<16xi1>, vector<16xf32>
      %select_n3A_548 = arith.select %gt3A_545, %gather3A_36, %select_n3A_514 : vector<16xi1>, vector<16xf32>
      %select_n3A_549 = arith.select %gt3A_545, %gather3A_60, %select_n3A_515 : vector<16xi1>, vector<16xf32>
      %select_n3A_550 = arith.select %gt3A_545, %gather3A_84, %select_n3A_516 : vector<16xi1>, vector<16xf32>
      %min3A_551 = arith.minimumf %gather3A_225, %gather3A_63 : vector<16xf32>
      %max3A_552 = arith.maximumf %gather3A_217, %gather3A_15 : vector<16xf32>
      %sub3A_553 = arith.subf %min3A_551, %max3A_552 : vector<16xf32>
      %add3A_554 = arith.constant 1.000000e+00 : f32
      %add3A_555 = vector.broadcast %add3A_554 : f32 to vector<16xf32>
      %add3A_556 = arith.addf %sub3A_553, %add3A_555 : vector<16xf32>
      %max3A_557 = arith.constant 0.000000e+00 : f32
      %max3A_558 = vector.broadcast %max3A_557 : f32 to vector<16xf32>
      %max3A_559 = arith.maximumf %add3A_556, %max3A_558 : vector<16xf32>
      %min3A_560 = arith.minimumf %gather3A_229, %gather3A_87 : vector<16xf32>
      %max3A_561 = arith.maximumf %gather3A_221, %gather3A_39 : vector<16xf32>
      %sub3A_562 = arith.subf %min3A_560, %max3A_561 : vector<16xf32>
      %add3A_563 = arith.constant 1.000000e+00 : f32
      %add3A_564 = vector.broadcast %add3A_563 : f32 to vector<16xf32>
      %add3A_565 = arith.addf %sub3A_562, %add3A_564 : vector<16xf32>
      %max3A_566 = arith.constant 0.000000e+00 : f32
      %max3A_567 = vector.broadcast %max3A_566 : f32 to vector<16xf32>
      %max3A_568 = arith.maximumf %add3A_565, %max3A_567 : vector<16xf32>
      %mul3A_569 = arith.mulf %max3A_559, %max3A_568 : vector<16xf32>
      %add3A_570 = arith.addf %mul3A_238, %mul3A_158 : vector<16xf32>
      %sub3A_571 = arith.subf %add3A_570, %mul3A_569 : vector<16xf32>
      %max3A_572 = arith.constant 9.99999997E-7 : f32
      %max3A_573 = vector.broadcast %max3A_572 : f32 to vector<16xf32>
      %max3A_574 = arith.maximumf %sub3A_571, %max3A_573 : vector<16xf32>
      %div3A_575 = arith.divf %mul3A_569, %max3A_574 : vector<16xf32>
      %add3A_576 = arith.addi %mul3A_450, %gather3A_111 : vector<16xi32>
      %gather3A_577 = tpu.vector_load_idx %arg9[%add3A_576] : memref<22400xf32, #tpu.memory_space<vmem>>[vector<16xi32>], vector<16xf32>,
      %max3A_578 = arith.maximumf %gather3A_577, %div3A_575 : vector<16xf32>
      tpu.vector_store_idx %arg9[%add3A_576], %max3A_578 : memref<22400xf32, #tpu.memory_space<vmem>>[vector<16xi32>], vector<16xf32>,
      %gt3A_579 = arith.cmpf ogt, %div3A_575, %select_n3A_546 : vector<16xf32>
      %select_n3A_580 = arith.select %gt3A_579, %div3A_575, %select_n3A_546 : vector<16xi1>, vector<16xf32>
      %select_n3A_581 = arith.select %gt3A_579, %gather3A_15, %select_n3A_547 : vector<16xi1>, vector<16xf32>
      %select_n3A_582 = arith.select %gt3A_579, %gather3A_39, %select_n3A_548 : vector<16xi1>, vector<16xf32>
      %select_n3A_583 = arith.select %gt3A_579, %gather3A_63, %select_n3A_549 : vector<16xi1>, vector<16xf32>
      %select_n3A_584 = arith.select %gt3A_579, %gather3A_87, %select_n3A_550 : vector<16xi1>, vector<16xf32>
      %min3A_585 = arith.minimumf %gather3A_225, %gather3A_66 : vector<16xf32>
      %max3A_586 = arith.maximumf %gather3A_217, %gather3A_18 : vector<16xf32>
      %sub3A_587 = arith.subf %min3A_585, %max3A_586 : vector<16xf32>
      %add3A_588 = arith.constant 1.000000e+00 : f32
      %add3A_589 = vector.broadcast %add3A_588 : f32 to vector<16xf32>
      %add3A_590 = arith.addf %sub3A_587, %add3A_589 : vector<16xf32>
      %max3A_591 = arith.constant 0.000000e+00 : f32
      %max3A_592 = vector.broadcast %max3A_591 : f32 to vector<16xf32>
      %max3A_593 = arith.maximumf %add3A_590, %max3A_592 : vector<16xf32>
      %min3A_594 = arith.minimumf %gather3A_229, %gather3A_90 : vector<16xf32>
      %max3A_595 = arith.maximumf %gather3A_221, %gather3A_42 : vector<16xf32>
      %sub3A_596 = arith.subf %min3A_594, %max3A_595 : vector<16xf32>
      %add3A_597 = arith.constant 1.000000e+00 : f32
      %add3A_598 = vector.broadcast %add3A_597 : f32 to vector<16xf32>
      %add3A_599 = arith.addf %sub3A_596, %add3A_598 : vector<16xf32>
      %max3A_600 = arith.constant 0.000000e+00 : f32
      %max3A_601 = vector.broadcast %max3A_600 : f32 to vector<16xf32>
      %max3A_602 = arith.maximumf %add3A_599, %max3A_601 : vector<16xf32>
      %mul3A_603 = arith.mulf %max3A_593, %max3A_602 : vector<16xf32>
      %add3A_604 = arith.addf %mul3A_238, %mul3A_167 : vector<16xf32>
      %sub3A_605 = arith.subf %add3A_604, %mul3A_603 : vector<16xf32>
      %max3A_606 = arith.constant 9.99999997E-7 : f32
      %max3A_607 = vector.broadcast %max3A_606 : f32 to vector<16xf32>
      %max3A_608 = arith.maximumf %sub3A_605, %max3A_607 : vector<16xf32>
      %div3A_609 = arith.divf %mul3A_603, %max3A_608 : vector<16xf32>
      %add3A_610 = arith.addi %mul3A_450, %gather3A_114 : vector<16xi32>
      %gather3A_611 = tpu.vector_load_idx %arg9[%add3A_610] : memref<22400xf32, #tpu.memory_space<vmem>>[vector<16xi32>], vector<16xf32>,
      %max3A_612 = arith.maximumf %gather3A_611, %div3A_609 : vector<16xf32>
      tpu.vector_store_idx %arg9[%add3A_610], %max3A_612 : memref<22400xf32, #tpu.memory_space<vmem>>[vector<16xi32>], vector<16xf32>,
      %gt3A_613 = arith.cmpf ogt, %div3A_609, %select_n3A_580 : vector<16xf32>
      %select_n3A_614 = arith.select %gt3A_613, %div3A_609, %select_n3A_580 : vector<16xi1>, vector<16xf32>
      %select_n3A_615 = arith.select %gt3A_613, %gather3A_18, %select_n3A_581 : vector<16xi1>, vector<16xf32>
      %select_n3A_616 = arith.select %gt3A_613, %gather3A_42, %select_n3A_582 : vector<16xi1>, vector<16xf32>
      %select_n3A_617 = arith.select %gt3A_613, %gather3A_66, %select_n3A_583 : vector<16xi1>, vector<16xf32>
      %select_n3A_618 = arith.select %gt3A_613, %gather3A_90, %select_n3A_584 : vector<16xi1>, vector<16xf32>
      %min3A_619 = arith.minimumf %gather3A_225, %gather3A_69 : vector<16xf32>
      %max3A_620 = arith.maximumf %gather3A_217, %gather3A_21 : vector<16xf32>
      %sub3A_621 = arith.subf %min3A_619, %max3A_620 : vector<16xf32>
      %add3A_622 = arith.constant 1.000000e+00 : f32
      %add3A_623 = vector.broadcast %add3A_622 : f32 to vector<16xf32>
      %add3A_624 = arith.addf %sub3A_621, %add3A_623 : vector<16xf32>
      %max3A_625 = arith.constant 0.000000e+00 : f32
      %max3A_626 = vector.broadcast %max3A_625 : f32 to vector<16xf32>
      %max3A_627 = arith.maximumf %add3A_624, %max3A_626 : vector<16xf32>
      %min3A_628 = arith.minimumf %gather3A_229, %gather3A_93 : vector<16xf32>
      %max3A_629 = arith.maximumf %gather3A_221, %gather3A_45 : vector<16xf32>
      %sub3A_630 = arith.subf %min3A_628, %max3A_629 : vector<16xf32>
      %add3A_631 = arith.constant 1.000000e+00 : f32
      %add3A_632 = vector.broadcast %add3A_631 : f32 to vector<16xf32>
      %add3A_633 = arith.addf %sub3A_630, %add3A_632 : vector<16xf32>
      %max3A_634 = arith.constant 0.000000e+00 : f32
      %max3A_635 = vector.broadcast %max3A_634 : f32 to vector<16xf32>
      %max3A_636 = arith.maximumf %add3A_633, %max3A_635 : vector<16xf32>
      %mul3A_637 = arith.mulf %max3A_627, %max3A_636 : vector<16xf32>
      %add3A_638 = arith.addf %mul3A_238, %mul3A_176 : vector<16xf32>
      %sub3A_639 = arith.subf %add3A_638, %mul3A_637 : vector<16xf32>
      %max3A_640 = arith.constant 9.99999997E-7 : f32
      %max3A_641 = vector.broadcast %max3A_640 : f32 to vector<16xf32>
      %max3A_642 = arith.maximumf %sub3A_639, %max3A_641 : vector<16xf32>
      %div3A_643 = arith.divf %mul3A_637, %max3A_642 : vector<16xf32>
      %add3A_644 = arith.addi %mul3A_450, %gather3A_117 : vector<16xi32>
      %gather3A_645 = tpu.vector_load_idx %arg9[%add3A_644] : memref<22400xf32, #tpu.memory_space<vmem>>[vector<16xi32>], vector<16xf32>,
      %max3A_646 = arith.maximumf %gather3A_645, %div3A_643 : vector<16xf32>
      tpu.vector_store_idx %arg9[%add3A_644], %max3A_646 : memref<22400xf32, #tpu.memory_space<vmem>>[vector<16xi32>], vector<16xf32>,
      %gt3A_647 = arith.cmpf ogt, %div3A_643, %select_n3A_614 : vector<16xf32>
      %select_n3A_648 = arith.select %gt3A_647, %div3A_643, %select_n3A_614 : vector<16xi1>, vector<16xf32>
      %select_n3A_649 = arith.select %gt3A_647, %gather3A_21, %select_n3A_615 : vector<16xi1>, vector<16xf32>
      %select_n3A_650 = arith.select %gt3A_647, %gather3A_45, %select_n3A_616 : vector<16xi1>, vector<16xf32>
      %select_n3A_651 = arith.select %gt3A_647, %gather3A_69, %select_n3A_617 : vector<16xi1>, vector<16xf32>
      %select_n3A_652 = arith.select %gt3A_647, %gather3A_93, %select_n3A_618 : vector<16xi1>, vector<16xf32>
      %min3A_653 = arith.minimumf %gather3A_225, %gather3A_72 : vector<16xf32>
      %max3A_654 = arith.maximumf %gather3A_217, %gather3A_24 : vector<16xf32>
      %sub3A_655 = arith.subf %min3A_653, %max3A_654 : vector<16xf32>
      %add3A_656 = arith.constant 1.000000e+00 : f32
      %add3A_657 = vector.broadcast %add3A_656 : f32 to vector<16xf32>
      %add3A_658 = arith.addf %sub3A_655, %add3A_657 : vector<16xf32>
      %max3A_659 = arith.constant 0.000000e+00 : f32
      %max3A_660 = vector.broadcast %max3A_659 : f32 to vector<16xf32>
      %max3A_661 = arith.maximumf %add3A_658, %max3A_660 : vector<16xf32>
      %min3A_662 = arith.minimumf %gather3A_229, %gather3A_96 : vector<16xf32>
      %max3A_663 = arith.maximumf %gather3A_221, %gather3A_48 : vector<16xf32>
      %sub3A_664 = arith.subf %min3A_662, %max3A_663 : vector<16xf32>
      %add3A_665 = arith.constant 1.000000e+00 : f32
      %add3A_666 = vector.broadcast %add3A_665 : f32 to vector<16xf32>
      %add3A_667 = arith.addf %sub3A_664, %add3A_666 : vector<16xf32>
      %max3A_668 = arith.constant 0.000000e+00 : f32
      %max3A_669 = vector.broadcast %max3A_668 : f32 to vector<16xf32>
      %max3A_670 = arith.maximumf %add3A_667, %max3A_669 : vector<16xf32>
      %mul3A_671 = arith.mulf %max3A_661, %max3A_670 : vector<16xf32>
      %add3A_672 = arith.addf %mul3A_238, %mul3A_185 : vector<16xf32>
      %sub3A_673 = arith.subf %add3A_672, %mul3A_671 : vector<16xf32>
      %max3A_674 = arith.constant 9.99999997E-7 : f32
      %max3A_675 = vector.broadcast %max3A_674 : f32 to vector<16xf32>
      %max3A_676 = arith.maximumf %sub3A_673, %max3A_675 : vector<16xf32>
      %div3A_677 = arith.divf %mul3A_671, %max3A_676 : vector<16xf32>
      %add3A_678 = arith.addi %mul3A_450, %gather3A_120 : vector<16xi32>
      %gather3A_679 = tpu.vector_load_idx %arg9[%add3A_678] : memref<22400xf32, #tpu.memory_space<vmem>>[vector<16xi32>], vector<16xf32>,
      %max3A_680 = arith.maximumf %gather3A_679, %div3A_677 : vector<16xf32>
      tpu.vector_store_idx %arg9[%add3A_678], %max3A_680 : memref<22400xf32, #tpu.memory_space<vmem>>[vector<16xi32>], vector<16xf32>,
      %gt3A_681 = arith.cmpf ogt, %div3A_677, %select_n3A_648 : vector<16xf32>
      %select_n3A_682 = arith.select %gt3A_681, %div3A_677, %select_n3A_648 : vector<16xi1>, vector<16xf32>
      %select_n3A_683 = arith.select %gt3A_681, %gather3A_24, %select_n3A_649 : vector<16xi1>, vector<16xf32>
      %select_n3A_684 = arith.select %gt3A_681, %gather3A_48, %select_n3A_650 : vector<16xi1>, vector<16xf32>
      %select_n3A_685 = arith.select %gt3A_681, %gather3A_72, %select_n3A_651 : vector<16xi1>, vector<16xf32>
      %select_n3A_686 = arith.select %gt3A_681, %gather3A_96, %select_n3A_652 : vector<16xi1>, vector<16xf32>
      %min3A_687 = arith.minimumf %gather3A_225, %gather3A_75 : vector<16xf32>
      %max3A_688 = arith.maximumf %gather3A_217, %gather3A_27 : vector<16xf32>
      %sub3A_689 = arith.subf %min3A_687, %max3A_688 : vector<16xf32>
      %add3A_690 = arith.constant 1.000000e+00 : f32
      %add3A_691 = vector.broadcast %add3A_690 : f32 to vector<16xf32>
      %add3A_692 = arith.addf %sub3A_689, %add3A_691 : vector<16xf32>
      %max3A_693 = arith.constant 0.000000e+00 : f32
      %max3A_694 = vector.broadcast %max3A_693 : f32 to vector<16xf32>
      %max3A_695 = arith.maximumf %add3A_692, %max3A_694 : vector<16xf32>
      %min3A_696 = arith.minimumf %gather3A_229, %gather3A_99 : vector<16xf32>
      %max3A_697 = arith.maximumf %gather3A_221, %gather3A_51 : vector<16xf32>
      %sub3A_698 = arith.subf %min3A_696, %max3A_697 : vector<16xf32>
      %add3A_699 = arith.constant 1.000000e+00 : f32
      %add3A_700 = vector.broadcast %add3A_699 : f32 to vector<16xf32>
      %add3A_701 = arith.addf %sub3A_698, %add3A_700 : vector<16xf32>
      %max3A_702 = arith.constant 0.000000e+00 : f32
      %max3A_703 = vector.broadcast %max3A_702 : f32 to vector<16xf32>
      %max3A_704 = arith.maximumf %add3A_701, %max3A_703 : vector<16xf32>
      %mul3A_705 = arith.mulf %max3A_695, %max3A_704 : vector<16xf32>
      %add3A_706 = arith.addf %mul3A_238, %mul3A_194 : vector<16xf32>
      %sub3A_707 = arith.subf %add3A_706, %mul3A_705 : vector<16xf32>
      %max3A_708 = arith.constant 9.99999997E-7 : f32
      %max3A_709 = vector.broadcast %max3A_708 : f32 to vector<16xf32>
      %max3A_710 = arith.maximumf %sub3A_707, %max3A_709 : vector<16xf32>
      %div3A_711 = arith.divf %mul3A_705, %max3A_710 : vector<16xf32>
      %add3A_712 = arith.addi %mul3A_450, %gather3A_123 : vector<16xi32>
      %gather3A_713 = tpu.vector_load_idx %arg9[%add3A_712] : memref<22400xf32, #tpu.memory_space<vmem>>[vector<16xi32>], vector<16xf32>,
      %max3A_714 = arith.maximumf %gather3A_713, %div3A_711 : vector<16xf32>
      tpu.vector_store_idx %arg9[%add3A_712], %max3A_714 : memref<22400xf32, #tpu.memory_space<vmem>>[vector<16xi32>], vector<16xf32>,
      %gt3A_715 = arith.cmpf ogt, %div3A_711, %select_n3A_682 : vector<16xf32>
      %select_n3A_716 = arith.select %gt3A_715, %div3A_711, %select_n3A_682 : vector<16xi1>, vector<16xf32>
      %select_n3A_717 = arith.select %gt3A_715, %gather3A_27, %select_n3A_683 : vector<16xi1>, vector<16xf32>
      %select_n3A_718 = arith.select %gt3A_715, %gather3A_51, %select_n3A_684 : vector<16xi1>, vector<16xf32>
      %select_n3A_719 = arith.select %gt3A_715, %gather3A_75, %select_n3A_685 : vector<16xi1>, vector<16xf32>
      %select_n3A_720 = arith.select %gt3A_715, %gather3A_99, %select_n3A_686 : vector<16xi1>, vector<16xf32>
      %sub3A_721 = arith.subf %gather3A_225, %gather3A_217 : vector<16xf32>
      %max3A_722 = arith.constant 1.000000e-03 : f32
      %max3A_723 = vector.broadcast %max3A_722 : f32 to vector<16xf32>
      %max3A_724 = arith.maximumf %sub3A_721, %max3A_723 : vector<16xf32>
      %sub3A_725 = arith.subf %gather3A_229, %gather3A_221 : vector<16xf32>
      %max3A_726 = arith.constant 1.000000e-03 : f32
      %max3A_727 = vector.broadcast %max3A_726 : f32 to vector<16xf32>
      %max3A_728 = arith.maximumf %sub3A_725, %max3A_727 : vector<16xf32>
      %sub3A_729 = arith.subf %select_n3A_719, %select_n3A_717 : vector<16xf32>
      %max3A_730 = arith.constant 1.000000e-03 : f32
      %max3A_731 = vector.broadcast %max3A_730 : f32 to vector<16xf32>
      %max3A_732 = arith.maximumf %sub3A_729, %max3A_731 : vector<16xf32>
      %sub3A_733 = arith.subf %select_n3A_720, %select_n3A_718 : vector<16xf32>
      %max3A_734 = arith.constant 1.000000e-03 : f32
      %max3A_735 = vector.broadcast %max3A_734 : f32 to vector<16xf32>
      %max3A_736 = arith.maximumf %sub3A_733, %max3A_735 : vector<16xf32>
      %mul3A_737 = arith.constant 5.000000e-01 : f32
      %mul3A_738 = vector.broadcast %mul3A_737 : f32 to vector<16xf32>
      %mul3A_739 = arith.mulf %mul3A_738, %max3A_732 : vector<16xf32>
      %add3A_740 = arith.addf %select_n3A_717, %mul3A_739 : vector<16xf32>
      %sub3A_741 = arith.subf %add3A_740, %gather3A_217 : vector<16xf32>
      %mul3A_742 = arith.constant 5.000000e-01 : f32
      %mul3A_743 = vector.broadcast %mul3A_742 : f32 to vector<16xf32>
      %mul3A_744 = arith.mulf %mul3A_743, %max3A_724 : vector<16xf32>
      %sub3A_745 = arith.subf %sub3A_741, %mul3A_744 : vector<16xf32>
      %div3A_746 = arith.divf %sub3A_745, %max3A_724 : vector<16xf32>
      %mul3A_747 = arith.constant 5.000000e-01 : f32
      %mul3A_748 = vector.broadcast %mul3A_747 : f32 to vector<16xf32>
      %mul3A_749 = arith.mulf %mul3A_748, %max3A_736 : vector<16xf32>
      %add3A_750 = arith.addf %select_n3A_718, %mul3A_749 : vector<16xf32>
      %sub3A_751 = arith.subf %add3A_750, %gather3A_221 : vector<16xf32>
      %mul3A_752 = arith.constant 5.000000e-01 : f32
      %mul3A_753 = vector.broadcast %mul3A_752 : f32 to vector<16xf32>
      %mul3A_754 = arith.mulf %mul3A_753, %max3A_728 : vector<16xf32>
      %sub3A_755 = arith.subf %sub3A_751, %mul3A_754 : vector<16xf32>
      %div3A_756 = arith.divf %sub3A_755, %max3A_728 : vector<16xf32>
      %add3A_757 = arith.constant 30 : i32
      %add3A_758 = vector.broadcast %add3A_757 : i32 to vector<16xi32>
      %add3A_759 = arith.addi %mul3A_450, %add3A_758 : vector<16xi32>
      tpu.vector_store_idx %arg9[%add3A_759], %select_n3A_716 : memref<22400xf32, #tpu.memory_space<vmem>>[vector<16xi32>], vector<16xf32>,
      %add3A_760 = arith.constant 31 : i32
      %add3A_761 = vector.broadcast %add3A_760 : i32 to vector<16xi32>
      %add3A_762 = arith.addi %mul3A_450, %add3A_761 : vector<16xi32>
      tpu.vector_store_idx %arg9[%add3A_762], %div3A_746 : memref<22400xf32, #tpu.memory_space<vmem>>[vector<16xi32>], vector<16xf32>,
      %add3A_763 = arith.constant 32 : i32
      %add3A_764 = vector.broadcast %add3A_763 : i32 to vector<16xi32>
      %add3A_765 = arith.addi %mul3A_450, %add3A_764 : vector<16xi32>
      tpu.vector_store_idx %arg9[%add3A_765], %div3A_756 : memref<22400xf32, #tpu.memory_space<vmem>>[vector<16xi32>], vector<16xf32>,
      %add3A_766 = arith.constant 33 : i32
      %add3A_767 = vector.broadcast %add3A_766 : i32 to vector<16xi32>
      %add3A_768 = arith.addi %mul3A_450, %add3A_767 : vector<16xi32>
      %div3A_769 = arith.divf %max3A_732, %max3A_724 : vector<16xf32>
      %bitcast_convert_type3A = tpu.bitcast %div3A_769 : vector<16xf32> -> vector<16xi32>
      %shift_right_arithmetic3A = arith.constant 23 : i32
      %shift_right_arithmetic3A_770 = vector.broadcast %shift_right_arithmetic3A : i32 to vector<16xi32>
      %shift_right_arithmetic3A_771 = arith.shrsi %bitcast_convert_type3A, %shift_right_arithmetic3A_770 : vector<16xi32>
      %and3A = arith.constant 255 : i32
      %and3A_772 = vector.broadcast %and3A : i32 to vector<16xi32>
      %and3A_773 = arith.andi %shift_right_arithmetic3A_771, %and3A_772 : vector<16xi32>
      %sub3A_774 = arith.constant 127 : i32
      %sub3A_775 = vector.broadcast %sub3A_774 : i32 to vector<16xi32>
      %sub3A_776 = arith.subi %and3A_773, %sub3A_775 : vector<16xi32>
      %and3A_777 = arith.constant 8388607 : i32
      %and3A_778 = vector.broadcast %and3A_777 : i32 to vector<16xi32>
      %and3A_779 = arith.andi %bitcast_convert_type3A, %and3A_778 : vector<16xi32>
      %or3A = arith.constant 1065353216 : i32
      %or3A_780 = vector.broadcast %or3A : i32 to vector<16xi32>
      %or3A_781 = arith.ori %and3A_779, %or3A_780 : vector<16xi32>
      %bitcast_convert_type3A_782 = tpu.bitcast %or3A_781 : vector<16xi32> -> vector<16xf32>
      %gt3A_783 = arith.constant 1.41421354 : f32
      %gt3A_784 = vector.broadcast %gt3A_783 : f32 to vector<16xf32>
      %gt3A_785 = arith.cmpf ogt, %bitcast_convert_type3A_782, %gt3A_784 : vector<16xf32>
      %mul3A_786 = arith.constant 5.000000e-01 : f32
      %mul3A_787 = vector.broadcast %mul3A_786 : f32 to vector<16xf32>
      %mul3A_788 = arith.mulf %bitcast_convert_type3A_782, %mul3A_787 : vector<16xf32>
      %select_n3A_789 = arith.select %gt3A_785, %mul3A_788, %bitcast_convert_type3A_782 : vector<16xi1>, vector<16xf32>
      %jit3A_790 = arith.constant 1 : i32
      %jit3A_791 = arith.constant 0 : i32
      %broadcast_in_dim3A_792 = vector.broadcast %jit3A_790 : i32 to vector<16xi32>
      %broadcast_in_dim3A_793 = vector.broadcast %jit3A_791 : i32 to vector<16xi32>
      %select_n3A_794 = arith.select %gt3A_785, %broadcast_in_dim3A_792, %broadcast_in_dim3A_793 : vector<16xi1>, vector<16xi32>
      %add3A_795 = arith.addi %sub3A_776, %select_n3A_794 : vector<16xi32>
      %sub3A_796 = arith.constant 1.000000e+00 : f32
      %sub3A_797 = vector.broadcast %sub3A_796 : f32 to vector<16xf32>
      %sub3A_798 = arith.subf %select_n3A_789, %sub3A_797 : vector<16xf32>
      %add3A_799 = arith.constant 1.000000e+00 : f32
      %add3A_800 = vector.broadcast %add3A_799 : f32 to vector<16xf32>
      %add3A_801 = arith.addf %select_n3A_789, %add3A_800 : vector<16xf32>
      %div3A_802 = arith.divf %sub3A_798, %add3A_801 : vector<16xf32>
      %mul3A_803 = arith.mulf %div3A_802, %div3A_802 : vector<16xf32>
      %mul3A_804 = arith.constant 4.000000e-01 : f32
      %mul3A_805 = vector.broadcast %mul3A_804 : f32 to vector<16xf32>
      %mul3A_806 = arith.mulf %mul3A_803, %mul3A_805 : vector<16xf32>
      %add3A_807 = arith.constant 0.666666686 : f32
      %add3A_808 = vector.broadcast %add3A_807 : f32 to vector<16xf32>
      %add3A_809 = arith.addf %add3A_808, %mul3A_806 : vector<16xf32>
      %mul3A_810 = arith.mulf %mul3A_803, %add3A_809 : vector<16xf32>
      %add3A_811 = arith.constant 2.000000e+00 : f32
      %add3A_812 = vector.broadcast %add3A_811 : f32 to vector<16xf32>
      %add3A_813 = arith.addf %add3A_812, %mul3A_810 : vector<16xf32>
      %mul3A_814 = arith.mulf %div3A_802, %add3A_813 : vector<16xf32>
      %convert_element_type3A = arith.sitofp %add3A_795 : vector<16xi32> to vector<16xf32>
      %mul3A_815 = arith.constant 0.693147182 : f32
      %mul3A_816 = vector.broadcast %mul3A_815 : f32 to vector<16xf32>
      %mul3A_817 = arith.mulf %convert_element_type3A, %mul3A_816 : vector<16xf32>
      %add3A_818 = arith.addf %mul3A_817, %mul3A_814 : vector<16xf32>
      tpu.vector_store_idx %arg9[%add3A_768], %add3A_818 : memref<22400xf32, #tpu.memory_space<vmem>>[vector<16xi32>], vector<16xf32>,
      %add3A_819 = arith.constant 34 : i32
      %add3A_820 = vector.broadcast %add3A_819 : i32 to vector<16xi32>
      %add3A_821 = arith.addi %mul3A_450, %add3A_820 : vector<16xi32>
      %div3A_822 = arith.divf %max3A_736, %max3A_728 : vector<16xf32>
      %bitcast_convert_type3A_823 = tpu.bitcast %div3A_822 : vector<16xf32> -> vector<16xi32>
      %shift_right_arithmetic3A_824 = arith.constant 23 : i32
      %shift_right_arithmetic3A_825 = vector.broadcast %shift_right_arithmetic3A_824 : i32 to vector<16xi32>
      %shift_right_arithmetic3A_826 = arith.shrsi %bitcast_convert_type3A_823, %shift_right_arithmetic3A_825 : vector<16xi32>
      %and3A_827 = arith.constant 255 : i32
      %and3A_828 = vector.broadcast %and3A_827 : i32 to vector<16xi32>
      %and3A_829 = arith.andi %shift_right_arithmetic3A_826, %and3A_828 : vector<16xi32>
      %sub3A_830 = arith.constant 127 : i32
      %sub3A_831 = vector.broadcast %sub3A_830 : i32 to vector<16xi32>
      %sub3A_832 = arith.subi %and3A_829, %sub3A_831 : vector<16xi32>
      %and3A_833 = arith.constant 8388607 : i32
      %and3A_834 = vector.broadcast %and3A_833 : i32 to vector<16xi32>
      %and3A_835 = arith.andi %bitcast_convert_type3A_823, %and3A_834 : vector<16xi32>
      %or3A_836 = arith.constant 1065353216 : i32
      %or3A_837 = vector.broadcast %or3A_836 : i32 to vector<16xi32>
      %or3A_838 = arith.ori %and3A_835, %or3A_837 : vector<16xi32>
      %bitcast_convert_type3A_839 = tpu.bitcast %or3A_838 : vector<16xi32> -> vector<16xf32>
      %gt3A_840 = arith.constant 1.41421354 : f32
      %gt3A_841 = vector.broadcast %gt3A_840 : f32 to vector<16xf32>
      %gt3A_842 = arith.cmpf ogt, %bitcast_convert_type3A_839, %gt3A_841 : vector<16xf32>
      %mul3A_843 = arith.constant 5.000000e-01 : f32
      %mul3A_844 = vector.broadcast %mul3A_843 : f32 to vector<16xf32>
      %mul3A_845 = arith.mulf %bitcast_convert_type3A_839, %mul3A_844 : vector<16xf32>
      %select_n3A_846 = arith.select %gt3A_842, %mul3A_845, %bitcast_convert_type3A_839 : vector<16xi1>, vector<16xf32>
      %jit3A_847 = arith.constant 1 : i32
      %jit3A_848 = arith.constant 0 : i32
      %broadcast_in_dim3A_849 = vector.broadcast %jit3A_847 : i32 to vector<16xi32>
      %broadcast_in_dim3A_850 = vector.broadcast %jit3A_848 : i32 to vector<16xi32>
      %select_n3A_851 = arith.select %gt3A_842, %broadcast_in_dim3A_849, %broadcast_in_dim3A_850 : vector<16xi1>, vector<16xi32>
      %add3A_852 = arith.addi %sub3A_832, %select_n3A_851 : vector<16xi32>
      %sub3A_853 = arith.constant 1.000000e+00 : f32
      %sub3A_854 = vector.broadcast %sub3A_853 : f32 to vector<16xf32>
      %sub3A_855 = arith.subf %select_n3A_846, %sub3A_854 : vector<16xf32>
      %add3A_856 = arith.constant 1.000000e+00 : f32
      %add3A_857 = vector.broadcast %add3A_856 : f32 to vector<16xf32>
      %add3A_858 = arith.addf %select_n3A_846, %add3A_857 : vector<16xf32>
      %div3A_859 = arith.divf %sub3A_855, %add3A_858 : vector<16xf32>
      %mul3A_860 = arith.mulf %div3A_859, %div3A_859 : vector<16xf32>
      %mul3A_861 = arith.constant 4.000000e-01 : f32
      %mul3A_862 = vector.broadcast %mul3A_861 : f32 to vector<16xf32>
      %mul3A_863 = arith.mulf %mul3A_860, %mul3A_862 : vector<16xf32>
      %add3A_864 = arith.constant 0.666666686 : f32
      %add3A_865 = vector.broadcast %add3A_864 : f32 to vector<16xf32>
      %add3A_866 = arith.addf %add3A_865, %mul3A_863 : vector<16xf32>
      %mul3A_867 = arith.mulf %mul3A_860, %add3A_866 : vector<16xf32>
      %add3A_868 = arith.constant 2.000000e+00 : f32
      %add3A_869 = vector.broadcast %add3A_868 : f32 to vector<16xf32>
      %add3A_870 = arith.addf %add3A_869, %mul3A_867 : vector<16xf32>
      %mul3A_871 = arith.mulf %div3A_859, %add3A_870 : vector<16xf32>
      %convert_element_type3A_872 = arith.sitofp %add3A_852 : vector<16xi32> to vector<16xf32>
      %mul3A_873 = arith.constant 0.693147182 : f32
      %mul3A_874 = vector.broadcast %mul3A_873 : f32 to vector<16xf32>
      %mul3A_875 = arith.mulf %convert_element_type3A_872, %mul3A_874 : vector<16xf32>
      %add3A_876 = arith.addf %mul3A_875, %mul3A_871 : vector<16xf32>
      tpu.vector_store_idx %arg9[%add3A_821], %add3A_876 : memref<22400xf32, #tpu.memory_space<vmem>>[vector<16xi32>], vector<16xf32>,
      %scan3A_877 = arith.constant 0 : i32
      scf.yield %scan3A_877 : i32
    }
    %scan3A_202 = arith.constant 40 : i32
    %mul3A_203 = arith.constant 35 : i32
    %mul3A_204 = arith.muli %select_n3A, %mul3A_203 : i32
    "tpu.region"() ({
      %run_scoped3A = tpu.sem_alloc : memref<!tpu.dma_semaphore, #tpu.memory_space<semaphore_mem>>
      %dma_start3A = tpu.memref_slice %arg5[%mul3A_204] : memref<700000xf32, #tpu.memory_space<hbm>> -> memref<22400xf32, #tpu.memory_space<hbm>>
      %dma_start3A_205 = tpu.memref_slice %arg5[%mul3A_204] : memref<700000xf32, #tpu.memory_space<hbm>> -> memref<22400xf32, #tpu.memory_space<hbm>>
      tpu.enqueue_dma source(%arg9 : memref<22400xf32, #tpu.memory_space<vmem>>) target(%dma_start3A_205 : memref<22400xf32, #tpu.memory_space<hbm>>) target_semaphore(%run_scoped3A : memref<!tpu.dma_semaphore, #tpu.memory_space<semaphore_mem>>)
      %dma_wait3A = tpu.memref_slice %arg5[%mul3A_204] : memref<700000xf32, #tpu.memory_space<hbm>> -> memref<22400xf32, #tpu.memory_space<hbm>>
      %dma_wait3A_206 = tpu.memref_slice %arg5[%mul3A_204] : memref<700000xf32, #tpu.memory_space<hbm>> -> memref<22400xf32, #tpu.memory_space<hbm>>
      tpu.wait_dma2 semaphore(%run_scoped3A : memref<!tpu.dma_semaphore, #tpu.memory_space<semaphore_mem>>) src(%arg9 : memref<22400xf32, #tpu.memory_space<vmem>>) dst(%dma_wait3A_206 : memref<22400xf32, #tpu.memory_space<hbm>>)
      tpu.yield
    }) : () -> ()
    return
  }
}

module attributes {stable_mosaic.version = 14 : i64} {
  func.func @_mm_body(%arg0: i32, %arg1: memref<1000x2048xf32, #tpu.memory_space<vmem>>, %arg2: memref<2048x151xf32, #tpu.memory_space<vmem>>, %arg3: memref<1000x35xf32, #tpu.memory_space<vmem>>, %arg4: memref<1000x186xf32, #tpu.memory_space<vmem>>) attributes {dimension_semantics = [#tpu.dimension_semantics<parallel>], iteration_bounds = array<i64: 20>, scalar_prefetch = 0 : i64, scratch_operands = 0 : i64, tpu.core_type = #tpu.core_type<tc>, window_params = [{transform_indices = @transform_0, window_bounds = array<i64: 1000, 2048>}, {pipeline_mode = #tpu.pipeline_mode<synchronous>, transform_indices = @transform_1, window_bounds = array<i64: 2048, 151>}, {transform_indices = @transform_2, window_bounds = array<i64: 1000, 35>}, {transform_indices = @transform_3, window_bounds = array<i64: 1000, 186>}]} {
    %get3A = arith.constant 0 : index
    %get3A_0 = arith.constant 0 : index
    %get3A_1 = vector.load %arg1[%get3A, %get3A_0] : memref<1000x2048xf32, #tpu.memory_space<vmem>>, vector<1000x2048xf32>
    %get3A_2 = arith.constant 0 : index
    %get3A_3 = arith.constant 0 : index
    %get3A_4 = vector.load %arg2[%get3A_2, %get3A_3] : memref<2048x151xf32, #tpu.memory_space<vmem>>, vector<2048x151xf32>
    %dot_general3A = arith.constant dense<0.000000e+00> : vector<1000x151xf32>
    %dot_general3A_5 = tpu.matmul %get3A_1, %get3A_4, %dot_general3A {dimension_numbers = #tpu.dot_dimension_numbers<[1], [0], [0], [1], [0, 0, 1, 1], [], []>, transpose_lhs_hint = false} : vector<1000x2048xf32>, vector<2048x151xf32>, vector<1000x151xf32> -> vector<1000x151xf32>
    %get3A_6 = arith.constant 0 : index
    %get3A_7 = arith.constant 0 : index
    %get3A_8 = vector.load %arg3[%get3A_6, %get3A_7] : memref<1000x35xf32, #tpu.memory_space<vmem>>, vector<1000x35xf32>
    %concatenate3A = tpu.concatenate %dot_general3A_5, %get3A_8 in 1 : vector<1000x151xf32>, vector<1000x35xf32> -> vector<1000x186xf32>
    %swap3A = arith.constant 0 : index
    %swap3A_9 = arith.constant 0 : index
    %swap3A_10 = vector.load %arg4[%swap3A, %swap3A_9] : memref<1000x186xf32, #tpu.memory_space<vmem>>, vector<1000x186xf32>
    tpu.vector_store %arg4[%swap3A, %swap3A_9], %concatenate3A {strides = array<i32>} : memref<1000x186xf32, #tpu.memory_space<vmem>>, vector<1000x186xf32>,
    return
  }
  func.func @transform_0(%arg0: i32) -> (i32, i32) {
    %c0_i32 = arith.constant 0 : i32
    %c0_i32_0 = arith.constant 0 : i32
    return %arg0, %c0_i32 : i32, i32
  }
  func.func @transform_1(%arg0: i32) -> (i32, i32) {
    %c0_i32 = arith.constant 0 : i32
    %c0_i32_0 = arith.constant 0 : i32
    %c0_i32_1 = arith.constant 0 : i32
    return %c0_i32, %c0_i32_0 : i32, i32
  }
  func.func @transform_2(%arg0: i32) -> (i32, i32) {
    %c0_i32 = arith.constant 0 : i32
    %c0_i32_0 = arith.constant 0 : i32
    return %arg0, %c0_i32 : i32, i32
  }
  func.func @transform_3(%arg0: i32) -> (i32, i32) {
    %c0_i32 = arith.constant 0 : i32
    %c0_i32_0 = arith.constant 0 : i32
    return %arg0, %c0_i32 : i32, i32
  }
}

</mosaic_0001>

<sc_bundles>
// kernel: kernel.4.cloned.1.call-start
scs
__scs_entry_jumppad:
0x0: {  	(pc) =	sbr.rel $0x88, $3  }
0x1: {  	(tag) =	ssettag $0x0;
	lr =	simm.s32 $0x1  }
0x2: {  	[smem:$0x3F9B] =	sst lr;
	_ =	strace $0xD0000000  }
0x3: {  	_ = 	snop  }
0x4: {  	_ = 	snop  }
0x5: {  	_ = 	snop  }
0x6: {  	_ = 	snop  }
0x7: {  	_ = 	snop  }
__scs_overlays_trampoline_lowered:
0x8: {  	[smem:$0x3FAA] =	sst s0  }
0x9: {  	[smem:$0x3FAB] =	sst s1  }
0xa: {  	[smem:$0x3FAC] =	sst s2  }
0xb: {  	[smem:$0x3FAD] =	sst s3  }
0xc: {  	[smem:$0x3FAE] =	sst s4  }
0xd: {  	[smem:$0x3FAF] =	sst s5  }
0xe: {  	[smem:$0x3FB0] =	sst s6  }
0xf: {  	[smem:$0x3FB1] =	sst s7  }
0x10: {  	[smem:$0x3FB2] =	sst s8  }
0x11: {  	[smem:$0x3FB3] =	sst s9;
	s0 =	simm.s32 @!p0 $0x0  }
0x12: {  	s1 =	sld [smem:$0x3F99];
	s0 =	simm.s32 @p0 $0x1  }
0x13: {  	[smem:$0x3FB4] =	sst s0;
	s0 =	simm.s32 @!p1 $0x0  }
0x14: {  	s2 =	sld [smem:$0x3F98];
	s0 =	simm.s32 @p1 $0x1  }
0x15: {  	[smem:$0x3FB5] =	sst s0;
	s0 =	simm.s32 @!p2 $0x0  }
0x16: {  	s3 =	sld [smem:$0x3FDB];
	s0 =	simm.s32 @p2 $0x1  }
0x17: {  	s4 =	simm.s32 $0x1BF5;
	[smem:$0x3FB7] =	sst s0  }
0x18: {  	s0 =	sld [smem:$0x3F9A];
	_ =	swait.ge [sflag:s4], $0x0  }
0x19: {  	s7 =	sld [smem:$0x3F9B]  }
0x1a: {  	s8 =	sadd.s32 $0xFFFFE003, lr  }
0x1b: {  	s9 =	sadd.s32 $0xFFFFFEF7, lr;
	s5 =	simm.s32 $0xFFFFFFFF;
	p2 =	slt.u32 s8, $0xFFFFF086  }
0x1c: {  	p1 =	slt.u32 s9, $0xF7A;
	s5 =	simm.s32 @!p2 $0x0  }
0x1d: {  	s5 =	simm.s32 @p1 $0x1;
	p0 =	seq.s32 s7, s2  }
0x1e: {  	s7 =	smul.u32 @!p0 $0xF7A, s2;
	p2 =	seq.s32 @!p0 s5, $0x0  }
0x1f: {  	s9 =	smul.u32 $0xF7A, s1;
	s8 =	simm.s32 @!p0 $0x1BF5;
	p2 =	por !p2, p0  }
0x20: {  	[sflag:s8] =	ssyncset.s32 @!p0 $0xFFFFF086;
	s6 =	sadd.s32 @!p0 s3, s7;
	s7 =	simm.s32 @!p0 $0x108  }
0x21: {  	s3 =	sadd.s32 s3, s9;
	s6 =	sadd.s32 @!p0 $0x88, s6;
	s7 =	simm.s32 @p2 $0x1082  }
0x22: {  	[simem:s7], [sflag:s8] =	dma.local @!p0 [hbm:s6], $0xF7A  }
0x23: {  	s9 =	sor.u32 $0xD0000000, s2;
	s6 =	simm.s32 $0x108;
	_ =	swait.ge @!p0 [sflag:s8], $0x0  }
0x24: {  	s3 =	sadd.s32 $0x88, s3;
	s6 =	simm.s32 @!p1 $0x1082;
	[sflag:s4] =	ssyncset.s32 $0xFFFFF086  }
0x25: {  	[simem:s6], [sflag:s4] =	dma.local [hbm:s3], $0xF7A  }
0x26: {  	[smem:$0x3F9B] =	sst s1;
	(tag) =	ssettag s2;
	_ =	strace s9  }
0x27: {  	s1 =	sld [smem:$0x3FAB]  }
0x28: {  	s2 =	sld [smem:$0x3FAC]  }
0x29: {  	s4 =	sld [smem:$0x3FAE]  }
0x2a: {  	p0 =	seq.s32 s5, $0x0;
	s5 =	sld [smem:$0x3FAF]  }
0x2b: {  	s6 =	sld [smem:$0x3FB0]  }
0x2c: {  	s7 =	sld [smem:$0x3FB1]  }
0x2d: {  	s3 =	simm.s32 $0x108;
	s8 =	sld [smem:$0x3FB2]  }
0x2e: {  	s3 =	simm.s32 @!p0 $0x1082;
	s9 =	sld [smem:$0x3FB3]  }
0x2f: {  	lr =	sadd.s32 s0, s3;
	s0 =	sld [smem:$0x3FAA]  }
0x30: {  	s3 =	sld [smem:$0x3FAD]  }
0x31: {  	[smem:$0x3FB6] =	sst s10  }
0x32: {  	s10 =	sld [smem:$0x3FB4];
	_ =	sdelay $0x3  }
0x33: {  	p0 =	seq.s32 s10, $0x1;
	s10 =	sld [smem:$0x3FB6];
	_ =	sdelay $0x3  }
0x34: {  	[smem:$0x3FB6] =	sst s10  }
0x35: {  	s10 =	sld [smem:$0x3FB5];
	_ =	sdelay $0x3  }
0x36: {  	p1 =	seq.s32 s10, $0x1;
	s10 =	sld [smem:$0x3FB6];
	_ =	sdelay $0x3  }
0x37: {  	[smem:$0x3FB6] =	sst s10  }
0x38: {  	s10 =	sld [smem:$0x3FB7]  }
0x39: {  	_ = 	snop;
	(pc) =	sbr.ind lr, $3  }
0x3a: {  	_ = 	snop  }
0x3b: {  	_ = 	snop  }
0x3c: {  	p2 =	seq.s32 s10, $0x1;
	s10 =	sld [smem:$0x3FB6]  }
0x3d: {  	_ =	shalt  }
0x3e: {  	_ =	shalt  }
0x3f: {  	_ =	shalt  }
0x40: {  	_ =	shalt  }
0x41: {  	_ =	shalt  }
0x42: {  	_ =	shalt  }
0x43: {  	_ =	shalt  }
0x44: {  	_ =	shalt  }
0x45: {  	_ =	shalt  }
0x46: {  	_ =	shalt  }
0x47: {  	_ =	shalt  }
0x48: {  	_ =	shalt  }
0x49: {  	_ =	shalt  }
0x4a: {  	_ =	shalt  }
0x4b: {  	_ =	shalt  }
0x4c: {  	_ =	shalt  }
0x4d: {  	_ =	shalt  }
0x4e: {  	_ =	shalt  }
0x4f: {  	_ =	shalt  }
0x50: {  	_ =	shalt  }
0x51: {  	_ =	shalt  }
0x52: {  	_ =	shalt  }
0x53: {  	_ =	shalt  }
0x54: {  	_ =	shalt  }
0x55: {  	_ =	shalt  }
0x56: {  	_ =	shalt  }
0x57: {  	_ =	shalt  }
0x58: {  	_ =	shalt  }
0x59: {  	_ =	shalt  }
0x5a: {  	_ =	shalt  }
0x5b: {  	_ =	shalt  }
0x5c: {  	_ =	shalt  }
0x5d: {  	_ =	shalt  }
0x5e: {  	_ =	shalt  }
0x5f: {  	_ =	shalt  }
0x60: {  	_ =	shalt  }
0x61: {  	_ =	shalt  }
0x62: {  	_ =	shalt  }
0x63: {  	_ =	shalt  }
0x64: {  	_ =	shalt  }
0x65: {  	_ =	shalt  }
0x66: {  	_ =	shalt  }
0x67: {  	_ =	shalt  }
0x68: {  	_ =	shalt  }
0x69: {  	_ =	shalt  }
0x6a: {  	_ =	shalt  }
0x6b: {  	_ =	shalt  }
0x6c: {  	_ =	shalt  }
0x6d: {  	_ =	shalt  }
0x6e: {  	_ =	shalt  }
0x6f: {  	_ =	shalt  }
0x70: {  	_ =	shalt  }
0x71: {  	_ =	shalt  }
0x72: {  	_ =	shalt  }
0x73: {  	_ =	shalt  }
0x74: {  	_ =	shalt  }
0x75: {  	_ =	shalt  }
0x76: {  	_ =	shalt  }
0x77: {  	_ =	shalt  }
0x78: {  	_ =	shalt  }
0x79: {  	_ =	shalt  }
0x7a: {  	_ =	shalt  }
0x7b: {  	_ =	shalt  }
0x7c: {  	_ =	shalt  }
0x7d: {  	_ =	shalt  }
0x7e: {  	_ =	shalt  }
0x7f: {  	_ =	shalt  }
0x80: {  	_ =	shalt  }
0x81: {  	_ =	shalt  }
0x82: {  	_ =	shalt  }
0x83: {  	_ =	shalt  }
0x84: {  	_ =	shalt  }
0x85: {  	_ =	shalt  }
0x86: {  	_ =	shalt  }
0x87: {  	_ =	shalt  }
.Lfunc_end0:
.L_simem_size_0:
called_computation_lowered:
.L_overlay_start_0:
0x88: {  	s2 =	sld [smem:$0x3FD9]  }
0x89: {  	s3 =	sld [smem:$0x3FFE];
	_ =	sdelay $0x1  }
0x8a: {  	s1 =	srdreg.scid  }
0x8b: {  	s0 =	sand.u32 $0x1, s1  }
0x8c: {  	s17 =	sshll.u32 s0, $0xA;
	s2 =	sadd.s32 s3, s2  }
0x8d: {  	s2 =	sadd.s32 s2, s17  }
0x8e: {  	[smem:$0x3FC2] =	sst s2  }
0x8f: {  	_ = 	snop  }
0x90: {  	s2 =	sld [smem:$0x3FD0];
	(tm) =	ssettm $0x1  }
0x91: {  	s18 =	sld [smem:$0x3FFB];
	_ =	sdelay $0x3  }
0x92: {  	_ =	strace s18  }
0x93: {  	s3 =	sld [smem:$0x3FFC];
	_ =	sdelay $0x3  }
0x94: {  	_ =	strace s3  }
0x95: {  	s3 =	sld [smem:$0x3FFD];
	_ =	sdelay $0x3  }
0x96: {  	_ =	strace s3  }
0x97: {  	_ =	strace $0x8FFFFFFF  }
0x98: {  	s19 =	sld [smem:$0x3FDB];
	_ =	sdelay $0x1  }
0x99: {  	s4 =	simm.s32 $_scs_section_size  }
0x9a: {  	s5 =	simm.s32 $_size__tile_overlayer_lowered;
	s6 =	simm.s32 $_tile_overlayer_lowered  }
0x9b: {  	s22 =	simm.s32 $0x1BFF;
	s21 =	sshll.u32 s6, $0x1;
	s3 =	sadd.s32 s4, s19  }
0x9c: {  	s7 =	simm.s32 $0x0;
	s20 =	sshll.u32 s5, $0x1;
	s5 =	sadd.s32 s21, s3  }
0x9d: {  	[timem:s7], [sflag:s22] =	dma.local [hbm:s5], s20  }
0x9e: {  	_ =	swait.ge [sflag:s22], s20  }
0x9f: {  	s4 =	ssub.s32 $0x0, s20;
	[sflag:s22] =	ssyncset.done $0x0  }
0xa0: {  	[sflag:s22] =	ssyncadd.s32 s4;
	_ =	sdelay $0x1  }
0xa1: {  	s23 =	simm.s32 $0x1B8B  }
0xa2: {  	_ =	swait.ge [sflag:s23], $0x1  }
0xa3: {  	[sflag:s23] =	ssyncset.done $0x0  }
0xa4: {  	s25 =	simm.s32 $0x1B8E;
	s24 =	sld [smem:$0x3FFE];
	[sflag:s23] =	ssyncadd.s32 $0xFFFFFFFF  }
0xa5: {  	s26 =	simm.s32 $execute0_lowered;
	[smem:$0x3FD2] =	sst s25  }
0xa6: {  	s5 =	sshll.u32 s26, $0x1;
	_ =	strace $0x80000046;
	[dreg:$0x1] =	wrdreg $0xFFFFFFFF  }
0xa7: {  	s28 =	simm.s32 $_size_execute0_lowered;
	s3 =	sadd.s32 s3, s5;
	[dreg:$0x0] =	wrdreg $0x0  }
0xa8: {  	s5 =	sshll.u32 s28, $0x1;
	[dreg:$0x2] =	wrdreg s3  }
0xa9: {  	[dreg:$0x3] =	wrdreg s5  }
0xaa: {  	[dreg:$0x4] =	wrdreg $0xC0  }
0xab: {  	_ =	task [dreg:s7], $0x5FFFF  }
0xac: {  	[dreg:$0x1] =	wrdreg $0xFFFFFFFF  }
0xad: {  	[dreg:$0x0] =	wrdreg $0x60  }
0xae: {  	[dreg:$0x2] =	wrdreg s24  }
0xaf: {  	[dreg:$0x3] =	wrdreg s2  }
0xb0: {  	[dreg:$0x4] =	wrdreg $0x9  }
0xb1: {  	_ =	task.clear_ibuf [dreg:s7], $0x5FFFF;
	_ =	strace $0x90000046  }
0xb2: {  	s29 =	simm.s32 $0x9;
	_ =	strace $0x80000048  }
0xb3: {  	_ =	swait.ge [sflag:s29], $0x1  }
0xb4: {  	[sflag:s29] =	ssyncadd.s32 $0xFFFFFFFF  }
0xb5: {  	_ =	strace $0x90000048  }
0xb6: {  	_ =	sfence  }
0xb7: {  	s30 =	sld [smem:$0x0];
	_ =	sdelay $0x2  }
0xb8: {  	s31 =	sshll.u32 s1, $0xD;
	s1 =	sshrl.u32 s1, $0x2  }
0xb9: {  	s3 =	sand.u32 $0x4000, s31;
	s1 =	sadd.s32 s1, s30  }
0xba: {  	s0 =	sor.u32 s3, s0;
	s1 =	sshll.u32 s1, $0x11  }
0xbb: {  	s0 =	sor.u32 s1, s0  }
0xbc: {  	s0 =	sadd.s32 $0x8F2B, s0  }
0xbd: {  	[sflag:s0] =	ssyncadd.remote.s32 $0x1  }
0xbe: {  	_ =	sfence.sel $0xFFFF  }
0xbf: {  	[dreg:$0x0] =	wrdreg $0xFFFFFFFF;
	(pc) =	sbr.abs _section_cstart, $3  }
0xc0: {  	[dreg:$0x1] =	wrdreg $0xFFFFFFFF  }
0xc1: {  	_ =	task.clear_ibuf [dreg:s7], $0x2FFFF;
	_ =	strace $0x9FFFFFFF  }
0xc2: {  	(tm) =	ssettm $0x7FFFFFFF  }
0xc3: {  	_ =	shalt  }
tec
execute0_lowered:
.L_overlay_start_1:
0x0: {  	(tag) =	ssettag $0x1  }
0x1: {  	s1 =	srdreg.scid;
	s5 =	rddreg [dreg:$0x0]  }
0x2: {  	s0 =	stileid.u32;
	s6 =	rddreg [dreg:$0x1]  }
0x3: {  	s2 =	simm.s32 $0x0;
	s4 =	sand.u32 $0x1, s1;
	s29 =	sshll.u32 s0, $0x1  }
0x4: {  	s10 =	simm.s32 $0xA80;
	s11 =	simm.s32 $0xB00;
	s3 =	sor.u32 s4, s29  }
0x5: {  	s12 =	simm.s32 $0x0;
	[smem:$0x7FF] =	sst s2;
	s7 =	smul.u32 $0x280, s3  }
0x6: {  	s1 =	rddreg [dreg:$0x2];
	_ =	strace $0x80000047;
	p0 =	seq.s32 s3, $0x1F  }
0x7: {  	s9 =	ssub.s32 $0x2, s4;
	s4 =	sadd.s32 $0x3200, s5;
	s7 =	simm.s32 @p0 $0x4BA0  }
0x8: {  	s31 =	sshrl.u32 s9, $0x1;
	s30 =	sshrl.u32 s7, $0x1;
	s7 =	smul.u32 $0x23, s7  }
0x9: {  	s3 =	sadd.s32 $0x3400, s5;
	s9 =	ssub.s32 s9, s31;
	s8 =	sadd.s32 s30, s5  }
0xa: {  	s7 =	sshrl.u32 s7, $0x3;
	s5 =	sadd.s32 $0xA00, s8;
	s8 =	simm.s32 $0x1  }
0xb: {  	v28 =	vlaneseq.u32;
	v33 =	vimm.f32 $0.0e+00;
	s6 =	sadd.s32 s6, s7;
	s7 =	smax.u32 s9, $0x1;
	s9 =	simm.s32 $0xA00  }
.LBB2_1:
0xc: {  	[tilespmem:s2], [sflag:$0x1] =	stream.linear.gather [hbm4b:s5+s2], $0xA00, $0x38;
	[tilespmem:$0x6280] =	vst v63  }
0xd: {  	_ =	swait.ge [sflag:s8], $0xA00  }
0xe: {  	[sflag:s8] =	ssyncset.done $0x0  }
0xf: {  	[sflag:s8] =	ssyncadd.s32 $0xFFFFF600  }
0x10: {  	[tilespmem:s9], [sflag:$0x1] =	stream.linear.gather [hbm4b:s3+s2], $0x80, $0x38;
	[tilespmem:$0x6280] =	vst v63  }
0x11: {  	_ =	swait.ge [sflag:s8], $0x80  }
0x12: {  	[sflag:s8] =	ssyncset.done $0x0  }
0x13: {  	v0 =	vimm.s32 $0x10;
	[sflag:s8] =	ssyncadd.s32 $0xFFFFFF80  }
0x14: {  	[tilespmem:s10], [sflag:$0x1] =	stream.linear.gather [hbm4b:s4+s2], $0x80, $0x38;
	[tilespmem:$0x6280] =	vst v63  }
0x15: {  	_ =	swait.ge [sflag:s8], $0x80  }
0x16: {  	[sflag:s8] =	ssyncset.done $0x0  }
0x17: {  	[sflag:s8] =	ssyncadd.s32 $0xFFFFFF80  }
0x18: {  	v37 =	vld.idx.msk [tilespmem:v0+s9+$0x0], $0xffff;
	v0 =	vimm.s32 $0x14;
	_ =	sdelay $0x4  }
0x19: {  	v38 =	vld.idx.msk [tilespmem:v0+s9+$0x0], $0xffff;
	v0 =	vimm.s32 $0x18;
	_ =	sdelay $0x4  }
0x1a: {  	v39 =	vld.idx.msk [tilespmem:v0+s9+$0x0], $0xffff;
	v0 =	vimm.s32 $0x1C;
	_ =	sdelay $0x4  }
0x1b: {  	v40 =	vld.idx.msk [tilespmem:v0+s9+$0x0], $0xffff;
	v0 =	vimm.s32 $0x20;
	_ =	sdelay $0x4  }
0x1c: {  	v41 =	vld.idx.msk [tilespmem:v0+s9+$0x0], $0xffff;
	v0 =	vimm.s32 $0x24;
	_ =	sdelay $0x4  }
0x1d: {  	v42 =	vld.idx.msk [tilespmem:v0+s9+$0x0], $0xffff;
	v0 =	vimm.s32 $0x11;
	_ =	sdelay $0x4  }
0x1e: {  	v45 =	vld.idx.msk [tilespmem:v0+s9+$0x0], $0xffff;
	v0 =	vimm.s32 $0x15;
	_ =	sdelay $0x4  }
0x1f: {  	v46 =	vld.idx.msk [tilespmem:v0+s9+$0x0], $0xffff;
	v0 =	vimm.s32 $0x19;
	_ =	sdelay $0x4  }
0x20: {  	v47 =	vld.idx.msk [tilespmem:v0+s9+$0x0], $0xffff;
	v0 =	vimm.s32 $0x1D;
	_ =	sdelay $0x4  }
0x21: {  	v48 =	vld.idx.msk [tilespmem:v0+s9+$0x0], $0xffff;
	v0 =	vimm.s32 $0x21;
	_ =	sdelay $0x4  }
0x22: {  	v49 =	vld.idx.msk [tilespmem:v0+s9+$0x0], $0xffff;
	v0 =	vimm.s32 $0x25;
	_ =	sdelay $0x4  }
0x23: {  	v50 =	vld.idx.msk [tilespmem:v0+s9+$0x0], $0xffff;
	v0 =	vimm.s32 $0x12;
	_ =	sdelay $0x3  }
0x24: {  	v16 =	vimm.s32 $0xC  }
0x25: {  	v55 =	vld.idx.msk [tilespmem:v0+s9+$0x0], $0xffff;
	v0 =	vimm.s32 $0x16  }
0x26: {  	v25 =	vimm.s32 $0xE;
	_ =	sdelay $0x2  }
0x27: {  	v36 =	vld.idx.msk [tilespmem:v16+s9+$0x0], $0xffff  }
0x28: {  	v56 =	vld.idx.msk [tilespmem:v0+s9+$0x0], $0xffff  }
0x29: {  	v2 =	vimm.s32 $0x1A;
	v52 =	vld.idx.msk [tilespmem:v25+s9+$0x0], $0xffff  }
0x2a: {  	v9 =	vimm.s32 $0x8;
	_ =	sdelay $0x2  }
0x2b: {  	v24 =	vimm.s32 $0xD;
	v5 =	vsub.f32 v56, v38  }
0x2c: {  	v27 =	vimm.s32 $0xF;
	v59 =	vld.idx.msk [tilespmem:v2+s9+$0x0], $0xffff;
	v2 =	vsub.f32 v52, v36  }
0x2d: {  	v17 =	vimm.s32 $0x9;
	v15 =	vadd.f32 $1.000000000e+00, v5;
	v5 =	vld.idx.msk [tilespmem:v9+s10+$0x0], $0xffff  }
0x2e: {  	v8 =	vadd.f32 $1.000000000e+00, v2;
	v2 =	vimm.s32 $0x1F  }
0x2f: {  	v35 =	vld.idx.msk [tilespmem:v9+s9+$0x0], $0xffff  }
0x30: {  	v4 =	vimm.s32 $0x1E;
	v44 =	vld.idx.msk [tilespmem:v24+s9+$0x0], $0xffff  }
0x31: {  	v54 =	vld.idx.msk [tilespmem:v27+s9+$0x0], $0xffff;
	v0 =	vimm.s32 $0x13  }
0x32: {  	v23 =	vimm.s32 $0xA;
	[tilespmem:$0x1FF70] =	vst v5;
	v5 =	vld.idx.msk [tilespmem:v17+s10+$0x0], $0xffff  }
0x33: {  	v62 =	vld.idx.msk [tilespmem:v2+s9+$0x0], $0xffff;
	v2 =	vimm.s32 $0x22  }
0x34: {  	v26 =	vimm.s32 $0xB;
	v43 =	vld.idx.msk [tilespmem:v17+s9+$0x0], $0xffff  }
0x35: {  	v60 =	vld.idx.msk [tilespmem:v4+s9+$0x0], $0xffff  }
0x36: {  	v4 =	vimm.s32 $0x1B;
	v57 =	vld.idx.msk [tilespmem:v0+s9+$0x0], $0xffff  }
0x37: {  	[tilespmem:$0x1FF80] =	vst v5;
	v5 =	vld.idx.msk [tilespmem:v23+s10+$0x0], $0xffff  }
0x38: {  	v3 =	vsub.f32 v54, v44;
	v63 =	vld.idx.msk [tilespmem:v2+s9+$0x0], $0xffff;
	v2 =	vimm.s32 $0x26  }
0x39: {  	v53 =	vld.idx.msk [tilespmem:v26+s9+$0x0], $0xffff;
	v0 =	vimm.s32 $0x17  }
0x3a: {  	v51 =	vld.idx.msk [tilespmem:v23+s9+$0x0], $0xffff;
	v12 =	vadd.f32 $1.000000000e+00, v3;
	v3 =	vsub.f32 v55, v37  }
0x3b: {  	v61 =	vld.idx.msk [tilespmem:v4+s9+$0x0], $0xffff  }
0x3c: {  	v13 =	vadd.f32 $1.000000000e+00, v3;
	v3 =	vimm.s32 $0x23;
	v4 =	vsub.f32 v57, v45;
	[tilespmem:$0x1FF90] =	vst v5;
	v5 =	vld.idx.msk [tilespmem:v26+s10+$0x0], $0xffff  }
0x3d: {  	v2 =	vld.idx.msk [tilespmem:v2+s9+$0x0], $0xffff  }
0x3e: {  	v1 =	vsub.f32 v53, v43;
	v58 =	vld.idx.msk [tilespmem:v0+s9+$0x0], $0xffff;
	v14 =	vadd.f32 $1.000000000e+00, v4;
	v4 =	vimm.s32 $0x27  }
0x3f: {  	v10 =	vsub.f32 v60, v40  }
0x40: {  	v1 =	vadd.f32 $1.000000000e+00, v1  }
0x41: {  	v21 =	vadd.f32 $1.000000000e+00, v10;
	v3 =	vld.idx.msk [tilespmem:v3+s9+$0x0], $0xffff;
	v0 =	vsub.f32 v51, v35;
	[tilespmem:$0x1FFB0] =	vst v5;
	v5 =	vmul.f32 v12, v8  }
0x42: {  	v34 =	vsub.f32 v2, v42;
	v7 =	vsub.f32 v61, v47  }
0x43: {  	v0 =	vadd.f32 $1.000000000e+00, v0;
	v6 =	vsub.f32 v58, v46;
	v4 =	vld.idx.msk [tilespmem:v4+s9+$0x0], $0xffff;
	[tilespmem:$0x1FFC0] =	vst v5;
	v5 =	vmul.f32 v14, v13  }
0x44: {  	v20 =	vadd.f32 $1.000000000e+00, v7;
	v11 =	vsub.f32 v62, v48  }
0x45: {  	v0 =	vmul.f32 v1, v0;
	v18 =	vadd.f32 $1.000000000e+00, v6;
	v6 =	vsub.f32 v59, v39;
	[tilespmem:$0x1FFD0] =	vst v5;
	v5 =	vld.idx.msk [tilespmem:v16+s10+$0x0], $0xffff  }
0x46: {  	v22 =	vadd.f32 $1.000000000e+00, v11;
	v1 =	vsub.f32 v3, v49  }
0x47: {  	[tilespmem:$0x1FFA0] =	vst v0;
	v0 =	vsub.f32 v63, v41;
	v19 =	vadd.f32 $1.000000000e+00, v6  }
0x48: {  	v1 =	vadd.f32 $1.000000000e+00, v1;
	v23 =	vsub.f32 v4, v50  }
0x49: {  	v0 =	vadd.f32 $1.000000000e+00, v0;
	v19 =	vmul.f32 v20, v19;
	v20 =	vmul.f32 v22, v21  }
0x4a: {  	v21 =	vld.idx.msk [tilespmem:v25+s10+$0x0], $0xffff;
	v23 =	vadd.f32 $1.000000000e+00, v23;
	v8 =	vadd.f32 $1.000000000e+00, v34;
	[tilespmem:$0x1FFE0] =	vst v5;
	v5 =	vmul.f32 v18, v15  }
0x4b: {  	v26 =	vld.idx.msk [tilespmem:v27+s10+$0x0], $0xffff  }
0x4c: {  	s13 =	simm.s32 $0xC10;
	s14 =	simm.s32 $0x0;
	s15 =	simm.s32 $0x0;
	v22 =	vmul.f32 v1, v0;
	v23 =	vmul.f32 v23, v8;
	v18 =	vld.idx.msk [tilespmem:v24+s10+$0x0], $0xffff;
	[tilespmem:$0x1FFF0] =	vst v5  }
.LBB2_2:
0x4d: {  	v29 =	vor.u32 s15, v28  }
0x4e: {  	v0 =	vshll.u32 v29, $0x2  }
0x4f: {  	v1 =	vor.u32 $0x1, v0  }
0x50: {  	v8 =	vor.u32 $0x2, v0  }
0x51: {  	v30 =	vor.u32 $0x3, v0;
	_ =	sdelay $0x1  }
0x52: {  	v28 =	vld.idx.msk [tilespmem:v0+s2+$0x0], $0xffff  }
0x53: {  	v27 =	vld.idx.msk [tilespmem:v1+s2+$0x0], $0xffff  }
0x54: {  	v1 =	vld.idx.msk [tilespmem:v8+s2+$0x0], $0xffff  }
0x55: {  	v0 =	vld.idx.msk [tilespmem:v30+s2+$0x0], $0xffff;
	[tilespmem:s13+$0xFFFFFEF0] =	vst v33  }
0x56: {  	[tilespmem:s13+$0xFFFFFF00] =	vst v33  }
0x57: {  	[tilespmem:s13+$0xFFFFFF10] =	vst v33  }
0x58: {  	[tilespmem:s13+$0xFFFFFF20] =	vst v33  }
0x59: {  	[tilespmem:s13+$0xFFFFFF30] =	vst v33  }
0x5a: {  	[tilespmem:s13+$0xFFFFFF40] =	vst v33  }
0x5b: {  	[tilespmem:s13+$0xFFFFFF50] =	vst v33  }
0x5c: {  	s16 =	sand.u32 $0xFFF0, s14;
	[tilespmem:s13+$0xFFFFFF60] =	vst v33  }
0x5d: {  	[tilespmem:s16+$0xB80] =	vst v33  }
0x5e: {  	[tilespmem:s13+$0xFFFFFF80] =	vst v33  }
0x5f: {  	[tilespmem:s13+$0xFFFFFF90] =	vst v33  }
0x60: {  	[tilespmem:s13+$0xFFFFFFA0] =	vst v33;
	v9 =	vmax.f32 v28, v35;
	v31 =	vsub.f32 v1, v28;
	v30 =	vsub.f32 v0, v27  }
0x61: {  	[tilespmem:s13+$0xFFFFFFB0] =	vst v33;
	v8 =	vmin.f32 v1, v51;
	v16 =	vmin.f32 v0, v53;
	v17 =	vmax.f32 v27, v43  }
0x62: {  	v5 =	vld [tilespmem:$0x1FFA0];
	[tilespmem:s13+$0xFFFFFFC0] =	vst v33;
	v8 =	vsub.f32 v8, v9;
	v12 =	vsub.f32 v16, v17  }
0x63: {  	[tilespmem:s13+$0xFFFFFFD0] =	vst v33;
	v16 =	vadd.f32 $1.000000000e+00, v31;
	v17 =	vadd.f32 $1.000000000e+00, v30  }
0x64: {  	[tilespmem:s13+$0xFFFFFFE0] =	vst v33;
	v24 =	vadd.f32 $1.000000000e+00, v8;
	v9 =	vadd.f32 $1.000000000e+00, v12  }
0x65: {  	[tilespmem:s16+$0xC00] =	vst v33;
	v25 =	vmin.f32 v0, v54;
	v32 =	vmax.f32 v27, v44;
	v8 =	vmul.f32 v17, v16  }
0x66: {  	[tilespmem:s13+$0x0] =	vst v33;
	v17 =	vmin.f32 v1, v52;
	v16 =	vmax.f32 v24, $0.0e+00;
	v9 =	vmax.f32 v9, $0.0e+00  }
0x67: {  	[tilespmem:s13+$0x10] =	vst v33;
	v24 =	vmax.f32 v28, v36;
	v9 =	vmul.f32 v9, v16;
	v16 =	vadd.f32 v8, v5  }
0x68: {  	[tilespmem:s13+$0x20] =	vst v33;
	v17 =	vsub.f32 v17, v24;
	v24 =	vsub.f32 v25, v32;
	v5 =	vld [tilespmem:$0x1FFC0]  }
0x69: {  	[tilespmem:s13+$0x30] =	vst v33;
	v16 =	vsub.f32 v16, v9  }
0x6a: {  	[tilespmem:s13+$0x40] =	vst v33;
	v17 =	vadd.f32 $1.000000000e+00, v17;
	v24 =	vadd.f32 $1.000000000e+00, v24  }
0x6b: {  	[tilespmem:s13+$0x50] =	vst v33;
	v16 =	vmax.f32 v16, $9.999999970e-07  }
0x6c: {  	[tilespmem:s13+$0x60] =	vst v33;
	(erf) = vrcp.f32 v16;
	v16 =	vmax.f32 v17, $0.0e+00;
	v17 =	vmax.f32 v24, $0.0e+00  }
0x6d: {  	[tilespmem:s16+$0xC80] =	vst v33;
	v16 =	vmul.f32 v17, v16;
	v17 =	vadd.f32 v8, v5;
	v5 =	vld [tilespmem:$0x1FF70]  }
0x6e: {  	v6 =	vld [tilespmem:$0x1FF80];
	[tilespmem:s13+$0x80] =	vst v33  }
0x6f: {  	[tilespmem:s13+$0x90] =	vst v33  }
0x70: {  	v29 =	vmul.u32 $0x23, v29;
	[tilespmem:s13+$0xA0] =	vst v33  }
0x71: {  	v13 =	vmax.f32 v28, v37;
	v34 =	vmin.f32 v0, v57;
	[tilespmem:s13+$0xB0] =	vst v33;
	v25 =	vmin.f32 v1, v55  }
0x72: {  	[tilespmem:s13+$0xC0] =	vst v33;
	v17 =	vsub.f32 v17, v16;
	v24 =	vadd.s32 v5, v29;
	v5 =	vmax.f32 v27, v45  }
0x73: {  	[tilespmem:s13+$0xD0] =	vst v33;
	v25 =	vsub.f32 v25, v13;
	v5 =	vsub.f32 v34, v5;
	v34 =	vadd.s32 v6, v29;
	v6 =	vld [tilespmem:$0x1FFD0]  }
0x74: {  	[tilespmem:s13+$0xE0] =	vst v33;
	v17 =	vmax.f32 v17, $9.999999970e-07  }
0x75: {  	[tilespmem:s16+$0xD00] =	vst v33;
	(erf) = vrcp.f32 v17;
	v17 =	vadd.f32 $1.000000000e+00, v25;
	v5 =	vadd.f32 $1.000000000e+00, v5  }
0x76: {  	[tilespmem:s13+$0x100] =	vst v33  }
0x77: {  	v7 =	vmin.f32 v0, v58;
	[tilespmem:s13+$0x110] =	vst v33;
	v17 =	vmax.f32 v17, $0.0e+00;
	v5 =	vmax.f32 v5, $0.0e+00  }
0x78: {  	v10 =	vmax.f32 v27, v46;
	v14 =	vld.idx.msk [tilespmem:v24+s11+$0x0], $0xffff;
	v5 =	vmul.f32 v5, v17;
	v17 =	vadd.f32 v8, v6  }
0x79: {  	v15 =	vmin.f32 v1, v56;
	v7 =	vsub.f32 v7, v10  }
0x7a: {  	v12 =	vmax.f32 v28, v39;
	v25 =	vpop (erf);
	v6 =	vmax.f32 v28, v38;
	v17 =	vsub.f32 v17, v5  }
0x7b: {  	v32 =	vmin.f32 v1, v59;
	v9 =	vmul.f32 v25, v9;
	v6 =	vsub.f32 v15, v6  }
0x7c: {  	v7 =	vadd.f32 $1.000000000e+00, v7;
	v12 =	vsub.f32 v32, v12;
	v17 =	vmax.f32 v17, $9.999999970e-07  }
0x7d: {  	v6 =	vadd.f32 $1.000000000e+00, v6;
	v25 =	vmax.f32 v14, v9;
	(erf) = vrcp.f32 v17  }
0x7e: {  	v32 =	vmin.f32 v0, v61;
	v13 =	vmax.f32 v27, v47;
	[tilespmem:v24+s11+$0x0] =	vst.idx.msk $0xffff, v25  }
0x7f: {  	v7 =	vmax.f32 v7, $0.0e+00;
	v13 =	vsub.f32 v32, v13;
	v6 =	vmax.f32 v6, $0.0e+00;
	v25 =	vld.idx.msk [tilespmem:v34+s11+$0x0], $0xffff  }
0x80: {  	v32 =	vmin.f32 v1, v60;
	v6 =	vmul.f32 v7, v6;
	v7 =	vld [tilespmem:$0x1FFF0]  }
0x81: {  	v12 =	vadd.f32 $1.000000000e+00, v12;
	v13 =	vadd.f32 $1.000000000e+00, v13;
	vm0 =	vgt.f32 v9, $-1.000000000e+00;
	v11 =	vpop (erf)  }
0x82: {  	v10 =	vnsel vm0, $0x0, v43;
	v11 =	vmul.f32 v11, v16;
	v14 =	vmax.f32 v28, v40  }
0x83: {  	v15 =	vmax.f32 v27, v48;
	v14 =	vsub.f32 v32, v14;
	v32 =	vmin.f32 v0, v62  }
0x84: {  	v9 =	vnsel vm0, $0xBF800000, v9;
	v16 =	vnsel vm0, $0x0, v53;
	v15 =	vsub.f32 v32, v15;
	v32 =	vld [tilespmem:$0x1FF90]  }
0x85: {  	vm9 =	vgt.f32 v11, v9;
	v25 =	vmax.f32 v25, v11;
	v7 =	vadd.f32 v8, v7  }
0x86: {  	v24 =	vnsel vm0, $0x0, v35;
	v9 =	vsel vm9, v11, v9;
	[tilespmem:v34+s11+$0x0] =	vst.idx.msk $0xffff, v25;
	v25 =	vmax.f32 v28, v41;
	v11 =	vpop (erf)  }
0x87: {  	v7 =	vsub.f32 v7, v6;
	v5 =	vmul.f32 v11, v5;
	v11 =	vmax.f32 v12, $0.0e+00  }
0x88: {  	v12 =	vmax.f32 v13, $0.0e+00;
	v13 =	vadd.f32 $1.000000000e+00, v14;
	v14 =	vadd.f32 $1.000000000e+00, v15  }
0x89: {  	v15 =	vadd.s32 v32, v29;
	v32 =	vadd.f32 v8, v19;
	v11 =	vmul.f32 v12, v11  }
0x8a: {  	v7 =	vmax.f32 v7, $9.999999970e-07;
	v13 =	vmax.f32 v13, $0.0e+00;
	v14 =	vmax.f32 v14, $0.0e+00  }
0x8b: {  	(erf) = vrcp.f32 v7;
	v7 =	vsub.f32 v32, v11;
	v12 =	vmul.f32 v14, v13  }
0x8c: {  	v13 =	vadd.f32 v8, v20;
	v32 =	vmin.f32 v1, v63;
	v1 =	vmin.f32 v1, v2  }
0x8d: {  	v14 =	vsub.f32 v32, v25;
	v25 =	vmin.f32 v0, v3;
	v32 =	vmax.f32 v27, v49  }
0x8e: {  	v0 =	vmin.f32 v0, v4;
	v25 =	vsub.f32 v25, v32;
	v32 =	vmax.f32 v28, v42  }
0x8f: {  	v34 =	vld.idx.msk [tilespmem:v15+s11+$0x0], $0xffff;
	v7 =	vmax.f32 v7, $9.999999970e-07;
	v1 =	vsub.f32 v1, v32;
	v32 =	vmax.f32 v27, v50  }
0x90: {  	v14 =	vadd.f32 $1.000000000e+00, v14;
	(erf) = vrcp.f32 v7;
	v7 =	vsub.f32 v13, v12  }
0x91: {  	v17 =	vnsel vm0, $0x0, v51;
	v0 =	vsub.f32 v0, v32;
	v25 =	vadd.f32 $1.000000000e+00, v25  }
0x92: {  	v32 =	vld [tilespmem:$0x1FFB0];
	v13 =	vmax.f32 v14, $0.0e+00;
	v1 =	vadd.f32 $1.000000000e+00, v1;
	v7 =	vmax.f32 v7, $9.999999970e-07  }
0x93: {  	v14 =	vmax.f32 v25, $0.0e+00;
	v0 =	vadd.f32 $1.000000000e+00, v0;
	(erf) = vrcp.f32 v7  }
0x94: {  	v25 =	vmax.f32 v34, v5;
	v13 =	vmul.f32 v14, v13;
	v34 =	vadd.f32 v8, v22  }
0x95: {  	vm1 =	vgt.f32 v5, v9;
	v1 =	vmax.f32 v1, $0.0e+00;
	v0 =	vmax.f32 v0, $0.0e+00  }
0x96: {  	v14 =	vsub.f32 v34, v13;
	v0 =	vmul.f32 v0, v1;
	v1 =	vadd.f32 v8, v23  }
0x97: {  	v24 =	vsel vm9, v36, v24;
	v5 =	vsel vm1, v5, v9;
	v32 =	vadd.s32 v32, v29  }
0x98: {  	[tilespmem:v15+s11+$0x0] =	vst.idx.msk $0xffff, v25;
	v15 =	vsel vm9, v54, v16;
	v14 =	vmax.f32 v14, $9.999999970e-07;
	v1 =	vsub.f32 v1, v0  }
0x99: {  	v8 =	vsel vm9, v44, v10;
	v10 =	vsel vm9, v52, v17;
	v34 =	vpop (erf);
	(erf) = vrcp.f32 v14  }
0x9a: {  	v17 =	vmax.f32 v30, $1.000000050e-03;
	v6 =	vmul.f32 v34, v6;
	v1 =	vmax.f32 v1, $9.999999970e-07  }
0x9b: {  	v8 =	vsel vm1, v45, v8;
	v9 =	vsel vm1, v55, v10;
	v34 =	vpop (erf);
	(erf) = vrcp.f32 v1  }
0x9c: {  	v14 =	vsel vm1, v37, v24;
	v10 =	vmul.f32 v34, v11;
	v7 =	vld.idx.msk [tilespmem:v32+s11+$0x0], $0xffff;
	vm10 =	vgt.f32 v6, v5  }
0x9d: {  	v1 =	vsel vm1, v57, v15;
	v15 =	vld [tilespmem:$0x1FFE0];
	v5 =	vsel vm10, v6, v5;
	v8 =	vsel vm10, v46, v8;
	v34 =	vpop (erf)  }
0x9e: {  	v9 =	vsel vm10, v56, v9;
	vm11 =	vgt.f32 v10, v5;
	v12 =	vmul.f32 v34, v12  }
0x9f: {  	v1 =	vsel vm10, v58, v1;
	v5 =	vsel vm11, v10, v5;
	v8 =	vsel vm11, v47, v8  }
0xa0: {  	v9 =	vsel vm11, v59, v9;
	v1 =	vsel vm11, v61, v1;
	vm12 =	vgt.f32 v12, v5  }
0xa1: {  	v7 =	vmax.f32 v7, v6;
	v6 =	vsel vm10, v38, v14;
	v14 =	vmax.f32 v31, $1.000000050e-03  }
0xa2: {  	v11 =	vadd.s32 v15, v29;
	v15 =	vadd.s32 v18, v29;
	v16 =	vpop (erf);
	(erf) = vrcp.f32 v14  }
0xa3: {  	v5 =	vsel vm12, v12, v5;
	[tilespmem:v32+s11+$0x0] =	vst.idx.msk $0xffff, v7;
	v7 =	vmul.f32 v16, v13;
	(erf) = vrcp.f32 v17  }
0xa4: {  	v8 =	vsel vm12, v48, v8;
	v9 =	vsel vm12, v60, v9;
	v6 =	vsel vm11, v39, v6;
	v34 =	vpop (erf)  }
0xa5: {  	v6 =	vsel vm12, v40, v6;
	vm13 =	vgt.f32 v7, v5;
	v0 =	vmul.f32 v34, v0  }
0xa6: {  	v1 =	vsel vm12, v62, v1;
	v5 =	vsel vm13, v7, v5;
	v6 =	vsel vm13, v41, v6  }
0xa7: {  	v32 =	vld.idx.msk [tilespmem:v11+s11+$0x0], $0xffff;
	v8 =	vsel vm13, v49, v8;
	v9 =	vsel vm13, v63, v9;
	vm14 =	vgt.f32 v0, v5  }
0xa8: {  	v1 =	vsel vm13, v3, v1;
	v6 =	vsel vm14, v42, v6;
	v9 =	vsel vm14, v2, v9  }
0xa9: {  	v8 =	vsel vm14, v50, v8;
	v1 =	vsel vm14, v4, v1;
	v9 =	vsub.f32 v9, v6  }
0xaa: {  	v1 =	vsub.f32 v1, v8  }
0xab: {  	v9 =	vmax.f32 v9, $1.000000050e-03;
	v16 =	vpop (erf)  }
0xac: {  	v10 =	vmax.f32 v32, v10;
	v1 =	vmax.f32 v1, $1.000000050e-03;
	v13 =	vpop (erf);
	v24 =	vmul.f32 v9, v16  }
0xad: {  	[tilespmem:v11+s11+$0x0] =	vst.idx.msk $0xffff, v10;
	v10 =	vmul.f32 v1, v13  }
0xae: {  	v11 =	vld.idx.msk [tilespmem:v15+s11+$0x0], $0xffff;
	v25 =	vand.u32 $0x7FFFFF, v24  }
0xaf: {  	v25 =	vor.u32 $0x3F800000, v25;
	v30 =	vand.u32 $0x7FFFFF, v10  }
0xb0: {  	v31 =	vadd.s32 v21, v29;
	v32 =	vmul.f32 $5.000000000e-01, v25;
	v30 =	vor.u32 $0x3F800000, v30  }
0xb1: {  	vm2 =	vgt.f32 v25, $1.414213540e+00;
	v34 =	vmul.f32 $5.000000000e-01, v30  }
0xb2: {  	vm15 =	vgt.f32 v30, $1.414213540e+00;
	v25 =	vsel vm2, v32, v25  }
0xb3: {  	v11 =	vmax.f32 v11, v12;
	v12 =	vsel vm15, v34, v30;
	v30 =	vadd.f32 $1.000000000e+00, v25  }
0xb4: {  	[tilespmem:v15+s11+$0x0] =	vst.idx.msk $0xffff, v11;
	v34 =	vadd.f32 $1.000000000e+00, v12  }
0xb5: {  	v15 =	vld.idx.msk [tilespmem:v31+s11+$0x0], $0xffff;
	(erf) = vrcp.f32 v30  }
0xb6: {  	(erf) = vrcp.f32 v34  }
0xb7: {  	v11 =	vadd.s32 v26, v29;
	_ =	sdelay $0x1  }
0xb8: {  	v9 =	vmul.f32 $5.000000000e-01, v9  }
0xb9: {  	v7 =	vmax.f32 v15, v7  }
0xba: {  	v6 =	vadd.f32 v9, v6;
	[tilespmem:v31+s11+$0x0] =	vst.idx.msk $0xffff, v7  }
0xbb: {  	v1 =	vmul.f32 $5.000000000e-01, v1;
	v7 =	vld.idx.msk [tilespmem:v11+s11+$0x0], $0xffff  }
0xbc: {  	v14 =	vmul.f32 $5.000000000e-01, v14;
	v6 =	vsub.f32 v6, v28;
	v32 =	vadd.f32 $-1.000000000e+00, v25  }
0xbd: {  	v5 =	vsel vm14, v0, v5;
	v1 =	vadd.f32 v1, v8;
	v12 =	vadd.f32 $-1.000000000e+00, v12;
	v34 =	vpop (erf)  }
0xbe: {  	v10 =	vshrl.u32 v10, $0x17;
	v6 =	vsub.f32 v6, v14;
	v8 =	vmul.f32 v34, v32;
	v15 =	vpop (erf)  }
0xbf: {  	v10 =	vand.u32 $0xFF, v10;
	v1 =	vsub.f32 v1, v27;
	v9 =	vmul.f32 v15, v12  }
0xc0: {  	v6 =	vmul.f32 v6, v16;
	v0 =	vmax.f32 v7, v0;
	v7 =	vmul.f32 v8, v8  }
0xc1: {  	v30 =	vimm.s32 $0x0;
	v32 =	vmul.f32 $5.000000000e-01, v17;
	v15 =	vmul.f32 v9, v9  }
0xc2: {  	v34 =	vshrl.u32 v24, $0x17;
	v17 =	vsel vm15, $0x1, v30;
	v16 =	vmul.f32 $4.000000060e-01, v7  }
0xc3: {  	v12 =	vsel vm2, $0x1, v30;
	v1 =	vsub.f32 v1, v32;
	v32 =	vmul.f32 $4.000000060e-01, v15  }
0xc4: {  	v14 =	vand.u32 $0xFF, v34;
	v34 =	vadd.s32 $0x1E, v29;
	v16 =	vadd.f32 $6.666666860e-01, v16  }
0xc5: {  	v10 =	vadd.s32 v17, v10;
	v1 =	vmul.f32 v1, v13;
	v13 =	vadd.f32 $6.666666860e-01, v32  }
0xc6: {  	v17 =	vadd.s32 $0x20, v29;
	v12 =	vadd.s32 v12, v14;
	v7 =	vmul.f32 v16, v7  }
0xc7: {  	v12 =	vadd.s32 $0xFFFFFF81, v12;
	v16 =	vadd.s32 $0x1F, v29;
	v13 =	vmul.f32 v13, v15  }
0xc8: {  	v10 =	vadd.s32 $0xFFFFFF81, v10;
	v12 =	vcvt.s32.f32 v12;
	v7 =	vadd.f32 $2.000000000e+00, v7  }
0xc9: {  	v10 =	vcvt.s32.f32 v10;
	v15 =	vadd.s32 $0x21, v29;
	v13 =	vadd.f32 $2.000000000e+00, v13  }
0xca: {  	p0 =	sne.s32 s15, $0x270;
	[tilespmem:v11+s11+$0x0] =	vst.idx.msk $0xffff, v0;
	v32 =	vadd.s32 $0x22, v29;
	v0 =	vmul.f32 v7, v8;
	v7 =	vmul.f32 $6.931471820e-01, v12  }
.Ltmp0:
0xcb: {  	[tilespmem:v34+s11+$0x0] =	vst.idx.msk $0xffff, v5;
	v34 =	vmul.f32 $6.931471820e-01, v10;
	v5 =	vmul.f32 v13, v9;
	(pc) =	sbr.rel @p0 .LBB2_2-.Ltmp0, $4  }
0xcc: {  	[tilespmem:v16+s11+$0x0] =	vst.idx.msk $0xffff, v6;
	v0 =	vadd.f32 v0, v7  }
0xcd: {  	[tilespmem:v17+s11+$0x0] =	vst.idx.msk $0xffff, v1;
	v1 =	vadd.f32 v5, v34  }
0xce: {  	[tilespmem:v15+s11+$0x0] =	vst.idx.msk $0xffff, v0  }
0xcf: {  	s14 =	sadd.s32 $0x230, s14;
	s15 =	sadd.s32 $0x10, s15;
	s13 =	sadd.s32 $0x230, s13;
	v28 =	vlaneseq.u32;
	[tilespmem:v32+s11+$0x0] =	vst.idx.msk $0xffff, v1  }
0xd0: {  	s12 =	sadd.s32 $0x1, s12  }
0xd1: {  	p0 =	sne.s32 s12, s7  }
.Ltmp1:
0xd2: {  	_ = 	snop;
	(pc) =	sbr.rel @p0 .LBB2_1-.Ltmp1, $4  }
0xd3: {  	[hbm4b:s6+s2] =	stream.linear.scatter [tilespmem:s11], [sflag:$0x1], $0x5780, $0x38;
	[tilespmem:$0x6280] =	vst v63  }
0xd4: {  	_ =	swait.ge [sflag:s8], $0x5780  }
0xd5: {  	[sflag:s8] =	ssyncset.done $0x0  }
0xd6: {  	[sflag:s8] =	ssyncadd.s32 $0xFFFFA880  }
0xd7: {  	_ =	sfence.sel $0x180000  }
0xd8: {  	[bflag:$0x0] =	sbarrier.arrive $0xFFFF  }
0xd9: {  	p0 =	sne.s32 s0, $0x0;
	_ =	strace $0x90000047  }
0xda: {  	s0 =	sadd.s32 @!p0 $0x100000, s1;
	[bflag:$0x2] =	sbarrier.arrive $0xFFFF  }
0xdb: {  	[sflag:s0] =	ssyncadd.tile.s32 @!p0 $0x1;
	_ =	shalt  }
.Lfunc_end2:
_tile_overlayer_lowered:
.L_overlay_start_2:
0xdc: {  	(tag) =	ssettag $0x2  }
0xdd: {  	s0 =	rddreg [dreg:$0x0];
	s2 =	stileid.u32  }
0xde: {  	s1 =	rddreg [dreg:$0x1];
	p0 =	sne.s32 s2, $0x0  }
0xdf: {  	s3 =	rddreg [dreg:$0x2];
	[bflag:$0x3] =	sbarrier.arrive $0xFFFF;
	s2 =	simm.s32 @!p0 $0x1C01  }
0xe0: {  	[timem:s3], [sflag:s2] =	dma.local @!p0 [hbm:s0], s1  }
0xe1: {  	s0 =	simm.s32 @!p0 $0x1  }
0xe2: {  	_ =	swait.ge @!p0 [sflag:s0], s1  }
0xe3: {  	s1 =	ssub.s32 @!p0 $0x0, s1;
	[sflag:s0] =	ssyncset.done @!p0 $0x0  }
0xe4: {  	[sflag:s0] =	ssyncadd.s32 @!p0 s1  }
0xe5: {  	[bflag:$0x3] =	sbarrier.arrive $0xFFFF  }
0xe6: {  	_ =	shalt  }

</sc_bundles>
